<compile_context>
chip_gen: v7x
topology: tpu7x:2x2x1
jax: 0.10.2.dev20260603
libtpu: 0.0.44.dev20260713+nightly
codegen_flags: <defaults>
</compile_context>

<pallas_src>
import functools

import jax
import jax.numpy as jnp
from jax import lax
from jax.experimental import pallas as pl
from jax.experimental.pallas import tpu as pltpu
from jax.experimental.pallas import tpu_sc as plsc

N = 10000
E = 320000
D = 128

NC = 2
NS = 16
NW = NC * NS

EPT = E // NW
CW = 125
CH = EPT // CW
RING = 16
CPW = 104
NCP = 6
ROWS0 = CPW * NCP
TAIL = N - ROWS0 * NS
NR = N // 16

_MESH = plsc.VectorSubcoreMesh(core_axis_name="c", subcore_axis_name="s")


@functools.partial(
    pl.kernel,
    out_type=jax.ShapeDtypeStruct((NW, NR, 16), jnp.float32),
    mesh=_MESH,
    scratch_types=[
        pltpu.VMEM((EPT,), jnp.int32),
        pltpu.VMEM((NR, 16), jnp.float32),
    ],
    compiler_params=pltpu.CompilerParams(needs_layout_passes=False),
)
def _hist(row_hbm, parts_hbm, row_v, cnt_v):
    c = lax.axis_index("c")
    s = lax.axis_index("s")
    wid = s * NC + c
    base = pl.multiple_of(wid * EPT, 8)
    pltpu.sync_copy(row_hbm.at[pl.ds(base, EPT)], row_v)

    zeros16 = jnp.zeros((16,), jnp.float32)

    def zero_body(j, _):
        cnt_v[j] = zeros16
        return 0

    lax.fori_loop(0, NR, zero_body, 0)

    ones = jnp.ones((16,), jnp.float32)

    def body(j, _):
        idx = row_v[pl.ds(j * 16, 16)]
        hi = lax.shift_right_logical(idx, 4)
        lo = lax.bitwise_and(idx, 15)
        plsc.addupdate_scatter(cnt_v, [hi, lo], ones)
        return 0

    lax.fori_loop(0, EPT // 16, body, 0)
    pltpu.sync_copy(cnt_v, parts_hbm.at[wid])


def _dis_body(parts_ref, q_ref):
    cnt = jnp.sum(parts_ref[...], axis=0)
    q_ref[...] = jnp.where(cnt > 0, lax.rsqrt(jnp.where(cnt > 0, cnt, 1.0)),
                           0.0)


def _dis(parts):
    return pl.pallas_call(
        _dis_body,
        grid=(1,),
        in_specs=[pl.BlockSpec((NW, NR, 16), lambda i: (0, 0, 0))],
        out_specs=pl.BlockSpec((NR, 16), lambda i: (0, 0)),
        out_shape=jax.ShapeDtypeStruct((NR, 16), jnp.float32),
    )(parts)


def _mm_body(x_ref, w_ref, q_ref, out_ref):
    y = jnp.dot(x_ref[...], w_ref[...], preferred_element_type=jnp.float32)
    out_ref[...] = y * q_ref[...]


_MM_BN = 2000


def _mm(x, w, q):
    return pl.pallas_call(
        _mm_body,
        grid=(N // _MM_BN,),
        in_specs=[
            pl.BlockSpec((_MM_BN, D), lambda i: (i, 0)),
            pl.BlockSpec((D, D), lambda i: (0, 0)),
            pl.BlockSpec((_MM_BN, 1), lambda i: (i, 0)),
        ],
        out_specs=pl.BlockSpec((_MM_BN, D), lambda i: (i, 0)),
        out_shape=jax.ShapeDtypeStruct((N, D), jnp.float32),
    )(x, w, q)


@functools.partial(
    pl.kernel,
    out_type=jax.ShapeDtypeStruct((NC, N, D), jnp.float32),
    mesh=_MESH,
    scratch_types=[
        pltpu.VMEM((CH, CW), jnp.int32),
        pltpu.VMEM((CH, CW), jnp.int32),
        pltpu.VMEM((CW, D), jnp.float32),
        pltpu.VMEM_SHARED((N, D), jnp.float32),
        pltpu.SemaphoreType.DMA,
    ],
    compiler_params=pltpu.CompilerParams(needs_layout_passes=False),
)
def _prop(out_hbm, ei_hbm, zeros_hbm, agg_hbm,
          idx_row_v, idx_col_v, buf0, acc_sh, gsem):
    c = lax.axis_index("c")
    s = lax.axis_index("s")
    wid = s * NC + c
    base = pl.multiple_of(wid * CH, 8)

    pltpu.sync_copy(ei_hbm.at[0, pl.ds(base, CH)], idx_row_v)
    pltpu.sync_copy(ei_hbm.at[1, pl.ds(base, CH)], idx_col_v)

    zb = buf0.at[pl.ds(0, CPW)]
    pltpu.sync_copy(zeros_hbm, zb)
    for k in range(NCP):
        off = pl.multiple_of(s * ROWS0 + k * CPW, 8)
        pltpu.sync_copy(zb, acc_sh.at[pl.ds(off, CPW)])

    @pl.when(s == NS - 1)
    def _zero_tail():
        pltpu.sync_copy(buf0.at[pl.ds(0, TAIL)],
                        acc_sh.at[pl.ds(ROWS0 * NS, TAIL)])

    plsc.subcore_barrier()

    def body(j, _):
        pltpu.async_copy(out_hbm.at[idx_col_v.at[j]], buf0, gsem).wait()
        pltpu.sync_copy(buf0, acc_sh.at[idx_row_v.at[j]], add=True)
        return 0

    lax.fori_loop(0, CH, body, 0)
    plsc.subcore_barrier()

    cb = buf0.at[pl.ds(0, CPW)]
    for k in range(NCP):
        off = pl.multiple_of(s * ROWS0 + k * CPW, 8)
        pltpu.sync_copy(acc_sh.at[pl.ds(off, CPW)], cb)
        pltpu.sync_copy(cb, agg_hbm.at[c, pl.ds(off, CPW)])

    @pl.when(s == NS - 1)
    def _copy_tail():
        tb = buf0.at[pl.ds(0, TAIL)]
        pltpu.sync_copy(acc_sh.at[pl.ds(ROWS0 * NS, TAIL)], tb)
        pltpu.sync_copy(tb, agg_hbm.at[c, pl.ds(ROWS0 * NS, TAIL)])


def _fin_body(p_ref, q_ref, b_ref, g_ref, be_ref, o_ref):
    a = (p_ref[0] + p_ref[1]) * q_ref[...] + b_ref[...]
    mu = jnp.mean(a, axis=1, keepdims=True)
    d = a - mu
    var = jnp.mean(d * d, axis=1, keepdims=True)
    h = d * lax.rsqrt(var + 1e-5) * g_ref[...] + be_ref[...]
    o_ref[...] = jnp.where(h > 0, h, 0.2 * h)


_FIN_BN = 2000


def _fin(p, q, b, g, be):
    return pl.pallas_call(
        _fin_body,
        grid=(N // _FIN_BN,),
        in_specs=[
            pl.BlockSpec((NC, _FIN_BN, D), lambda i: (0, i, 0)),
            pl.BlockSpec((_FIN_BN, 1), lambda i: (i, 0)),
            pl.BlockSpec((1, D), lambda i: (0, 0)),
            pl.BlockSpec((1, D), lambda i: (0, 0)),
            pl.BlockSpec((1, D), lambda i: (0, 0)),
        ],
        out_specs=pl.BlockSpec((_FIN_BN, D), lambda i: (i, 0)),
        out_shape=jax.ShapeDtypeStruct((N, D), jnp.float32),
    )(p, q, b, g, be)


def kernel(x, edge_index, W, adaptive_weight, bias, ln_gamma, ln_beta):
    del adaptive_weight
    row = edge_index[0]
    parts = _hist(row)
    q = _dis(parts).reshape(N, 1)
    out_scaled = _mm(x, W, q)
    zeros = jnp.zeros((CPW, D), jnp.float32)
    ei3 = edge_index.reshape(2, E // CW, CW)
    aggp = _prop(out_scaled, ei3, zeros)
    return _fin(aggp, q, bias.reshape(1, D), ln_gamma.reshape(1, D),
                ln_beta.reshape(1, D))

# --- scband reference (transcript-rebuilt; emitter-appended) ---
"""Pipeline reference for scband-agcnconv-48610439856570 (READ-ONLY COPY).

The authoritative reference and input builder live on the scoring server;
editing this copy changes nothing except your own understanding.
"""

import jax, jax.numpy as jnp
import numpy as np

N = 10000
E = 320000
D = 128

def setup_inputs(seed: int = 0) -> dict:
    key = jax.random.key(seed)
    k1, k2, k3, k4, k5 = jax.random.split(key, 5)
    x = jax.random.normal(k1, (N, D), dtype=jnp.float32)
    edge_index = jax.random.randint(k2, (2, E), 0, N, dtype=jnp.int32)
    W = jax.random.normal(k3, (D, D), dtype=jnp.float32) * (1.0 / np.sqrt(D))
    adaptive_weight = jax.random.uniform(k4, (1,), dtype=jnp.float32)
    bound = 1.0 / np.sqrt(D)
    bias = jax.random.uniform(k5, (D,), dtype=jnp.float32, minval=-bound, maxval=bound)
    ln_gamma = jnp.ones((D,), dtype=jnp.float32)
    ln_beta = jnp.zeros((D,), dtype=jnp.float32)
    return {"x": x, "edge_index": edge_index, "W": W, "adaptive_weight": adaptive_weight, "bias": bias, "ln_gamma": ln_gamma, "ln_beta": ln_beta}

def reference(x, edge_index, W, adaptive_weight, bias, ln_gamma, ln_beta):
    # Linear transform
    out = x @ W
    row = edge_index[0]
    col = edge_index[1]
    # adaptive edge weights (edge_weight=None branch)
    aew = jnp.ones((E,), dtype=x.dtype) * jax.nn.sigmoid(adaptive_weight[0])
    # symmetric degree normalization
    deg = jnp.zeros((x.shape[0],), dtype=x.dtype).at[row].add(aew)
    safe_deg = jnp.where(deg > 0, deg, 1.0)
    deg_inv_sqrt = jnp.where(deg > 0, 1.0 / jnp.sqrt(safe_deg), 0.0)
    norm = deg_inv_sqrt[row] * aew * deg_inv_sqrt[col]
    # propagate: scatter-add messages gathered from col into row
    agg = jnp.zeros_like(out).at[row].add(out[col] * norm[:, None])
    agg = agg + bias
    # LayerNorm (eps=1e-5, biased variance like torch)
    mean = jnp.mean(agg, axis=-1, keepdims=True)
    var = jnp.mean((agg - mean) ** 2, axis=-1, keepdims=True)
    h = (agg - mean) / jnp.sqrt(var + 1e-5) * ln_gamma + ln_beta
    # LeakyReLU(alpha=0.2)
    h = jnp.where(h > 0, h, 0.2 * h)
    # heads==1 -> no attention; N=10000 > max_attn_nodes anyway
    # dropout is identity in eval mode
    return h

if __name__ == "__main__":
    import jax
    _d = setup_inputs()
    print(jax.jit(kernel)(*tuple(_d.values())))

</pallas_src>

<mosaic_0001>
#map = affine_map<(d0, d1) -> (0, 0)>
#map1 = affine_map<(d0, d1) -> (0, 0, 0)>
module attributes {stable_mosaic.version = 14 : i64} {
  func.func @_prop(%arg0: i32, %arg1: i32, %arg2: memref<10000x128xf32, #tpu.memory_space<hbm>>, %arg3: memref<2x2560x125xi32, #tpu.memory_space<hbm>>, %arg4: memref<104x128xf32, #tpu.memory_space<hbm>>, %arg5: memref<2x10000x128xf32, #tpu.memory_space<hbm>>, %arg6: memref<80x125xi32, #tpu.memory_space<vmem>>, %arg7: memref<80x125xi32, #tpu.memory_space<vmem>>, %arg8: memref<125x128xf32, #tpu.memory_space<vmem>>, %arg9: memref<10000x128xf32, #tpu.memory_space<vmem_shared>>, %arg10: memref<!tpu.dma_semaphore, #tpu.memory_space<semaphore_mem>>) attributes {dimension_semantics = [#tpu.dimension_semantics<core_parallel>, #tpu.dimension_semantics<subcore_parallel>], iteration_bounds = array<i64: 2, 16>, scalar_prefetch = 0 : i64, scratch_operands = 5 : i64, tpu.core_type = #tpu.core_type<sc_vector_subcore>, window_params = [{transform_indices = #map}, {transform_indices = #map1}, {transform_indices = #map}, {transform_indices = #map1}]} {
    %mul3A = arith.constant 2 : i32
    %mul3A_0 = arith.muli %arg1, %mul3A : i32
    %add3A = arith.addi %mul3A_0, %arg0 : i32
    %mul3A_1 = arith.constant 80 : i32
    %mul3A_2 = arith.muli %add3A, %mul3A_1 : i32
    %multiple_of3A = tpu.assume_multiple %mul3A_2, 8 : i32
    %run_scoped3A = arith.constant 0 : i32
    "tpu.region"() ({
      %run_scoped3A_78 = tpu.sem_alloc : memref<!tpu.dma_semaphore, #tpu.memory_space<semaphore_mem>>
      %dma_start3A = arith.constant 0 : i32
      %dma_start3A_79 = tpu.memref_slice %arg3[%run_scoped3A, %multiple_of3A, %dma_start3A] : memref<2x2560x125xi32, #tpu.memory_space<hbm>> -> memref<1x80x125xi32, #tpu.memory_space<hbm>>
      %dma_start3A_80 = tpu.memref_squeeze %dma_start3A_79 : memref<1x80x125xi32, #tpu.memory_space<hbm>> -> memref<80x125xi32, #tpu.memory_space<hbm>>
      %dma_start3A_81 = arith.constant 0 : i32
      %dma_start3A_82 = tpu.memref_slice %arg3[%run_scoped3A, %multiple_of3A, %dma_start3A_81] : memref<2x2560x125xi32, #tpu.memory_space<hbm>> -> memref<1x80x125xi32, #tpu.memory_space<hbm>>
      %dma_start3A_83 = tpu.memref_squeeze %dma_start3A_82 : memref<1x80x125xi32, #tpu.memory_space<hbm>> -> memref<80x125xi32, #tpu.memory_space<hbm>>
      tpu.enqueue_dma source(%dma_start3A_83 : memref<80x125xi32, #tpu.memory_space<hbm>>) target(%arg6 : memref<80x125xi32, #tpu.memory_space<vmem>>) target_semaphore(%run_scoped3A_78 : memref<!tpu.dma_semaphore, #tpu.memory_space<semaphore_mem>>)
      %dma_wait3A = arith.constant 0 : i32
      %dma_wait3A_84 = tpu.memref_slice %arg3[%run_scoped3A, %multiple_of3A, %dma_wait3A] : memref<2x2560x125xi32, #tpu.memory_space<hbm>> -> memref<1x80x125xi32, #tpu.memory_space<hbm>>
      %dma_wait3A_85 = tpu.memref_squeeze %dma_wait3A_84 : memref<1x80x125xi32, #tpu.memory_space<hbm>> -> memref<80x125xi32, #tpu.memory_space<hbm>>
      %dma_wait3A_86 = arith.constant 0 : i32
      %dma_wait3A_87 = tpu.memref_slice %arg3[%run_scoped3A, %multiple_of3A, %dma_wait3A_86] : memref<2x2560x125xi32, #tpu.memory_space<hbm>> -> memref<1x80x125xi32, #tpu.memory_space<hbm>>
      %dma_wait3A_88 = tpu.memref_squeeze %dma_wait3A_87 : memref<1x80x125xi32, #tpu.memory_space<hbm>> -> memref<80x125xi32, #tpu.memory_space<hbm>>
      tpu.wait_dma2 semaphore(%run_scoped3A_78 : memref<!tpu.dma_semaphore, #tpu.memory_space<semaphore_mem>>) src(%dma_wait3A_88 : memref<80x125xi32, #tpu.memory_space<hbm>>) dst(%arg6 : memref<80x125xi32, #tpu.memory_space<vmem>>)
      tpu.yield
    }) : () -> ()
    %run_scoped3A_3 = arith.constant 1 : i32
    "tpu.region"() ({
      %run_scoped3A_78 = tpu.sem_alloc : memref<!tpu.dma_semaphore, #tpu.memory_space<semaphore_mem>>
      %dma_start3A = arith.constant 0 : i32
      %dma_start3A_79 = tpu.memref_slice %arg3[%run_scoped3A_3, %multiple_of3A, %dma_start3A] : memref<2x2560x125xi32, #tpu.memory_space<hbm>> -> memref<1x80x125xi32, #tpu.memory_space<hbm>>
      %dma_start3A_80 = tpu.memref_squeeze %dma_start3A_79 : memref<1x80x125xi32, #tpu.memory_space<hbm>> -> memref<80x125xi32, #tpu.memory_space<hbm>>
      %dma_start3A_81 = arith.constant 0 : i32
      %dma_start3A_82 = tpu.memref_slice %arg3[%run_scoped3A_3, %multiple_of3A, %dma_start3A_81] : memref<2x2560x125xi32, #tpu.memory_space<hbm>> -> memref<1x80x125xi32, #tpu.memory_space<hbm>>
      %dma_start3A_83 = tpu.memref_squeeze %dma_start3A_82 : memref<1x80x125xi32, #tpu.memory_space<hbm>> -> memref<80x125xi32, #tpu.memory_space<hbm>>
      tpu.enqueue_dma source(%dma_start3A_83 : memref<80x125xi32, #tpu.memory_space<hbm>>) target(%arg7 : memref<80x125xi32, #tpu.memory_space<vmem>>) target_semaphore(%run_scoped3A_78 : memref<!tpu.dma_semaphore, #tpu.memory_space<semaphore_mem>>)
      %dma_wait3A = arith.constant 0 : i32
      %dma_wait3A_84 = tpu.memref_slice %arg3[%run_scoped3A_3, %multiple_of3A, %dma_wait3A] : memref<2x2560x125xi32, #tpu.memory_space<hbm>> -> memref<1x80x125xi32, #tpu.memory_space<hbm>>
      %dma_wait3A_85 = tpu.memref_squeeze %dma_wait3A_84 : memref<1x80x125xi32, #tpu.memory_space<hbm>> -> memref<80x125xi32, #tpu.memory_space<hbm>>
      %dma_wait3A_86 = arith.constant 0 : i32
      %dma_wait3A_87 = tpu.memref_slice %arg3[%run_scoped3A_3, %multiple_of3A, %dma_wait3A_86] : memref<2x2560x125xi32, #tpu.memory_space<hbm>> -> memref<1x80x125xi32, #tpu.memory_space<hbm>>
      %dma_wait3A_88 = tpu.memref_squeeze %dma_wait3A_87 : memref<1x80x125xi32, #tpu.memory_space<hbm>> -> memref<80x125xi32, #tpu.memory_space<hbm>>
      tpu.wait_dma2 semaphore(%run_scoped3A_78 : memref<!tpu.dma_semaphore, #tpu.memory_space<semaphore_mem>>) src(%dma_wait3A_88 : memref<80x125xi32, #tpu.memory_space<hbm>>) dst(%arg7 : memref<80x125xi32, #tpu.memory_space<vmem>>)
      tpu.yield
    }) : () -> ()
    "tpu.region"() ({
      %run_scoped3A_78 = tpu.sem_alloc : memref<!tpu.dma_semaphore, #tpu.memory_space<semaphore_mem>>
      %dma_start3A = arith.constant 0 : i32
      %dma_start3A_79 = arith.constant 0 : i32
      %dma_start3A_80 = tpu.memref_slice %arg8[%dma_start3A, %dma_start3A_79] : memref<125x128xf32, #tpu.memory_space<vmem>> -> memref<104x128xf32, #tpu.memory_space<vmem>>
      %dma_start3A_81 = arith.constant 0 : i32
      %dma_start3A_82 = arith.constant 0 : i32
      %dma_start3A_83 = tpu.memref_slice %arg8[%dma_start3A_81, %dma_start3A_82] : memref<125x128xf32, #tpu.memory_space<vmem>> -> memref<104x128xf32, #tpu.memory_space<vmem>>
      tpu.enqueue_dma source(%arg4 : memref<104x128xf32, #tpu.memory_space<hbm>>) target(%dma_start3A_83 : memref<104x128xf32, #tpu.memory_space<vmem>>) target_semaphore(%run_scoped3A_78 : memref<!tpu.dma_semaphore, #tpu.memory_space<semaphore_mem>>)
      %dma_wait3A = arith.constant 0 : i32
      %dma_wait3A_84 = arith.constant 0 : i32
      %dma_wait3A_85 = tpu.memref_slice %arg8[%dma_wait3A, %dma_wait3A_84] : memref<125x128xf32, #tpu.memory_space<vmem>> -> memref<104x128xf32, #tpu.memory_space<vmem>>
      %dma_wait3A_86 = arith.constant 0 : i32
      %dma_wait3A_87 = arith.constant 0 : i32
      %dma_wait3A_88 = tpu.memref_slice %arg8[%dma_wait3A_86, %dma_wait3A_87] : memref<125x128xf32, #tpu.memory_space<vmem>> -> memref<104x128xf32, #tpu.memory_space<vmem>>
      tpu.wait_dma2 semaphore(%run_scoped3A_78 : memref<!tpu.dma_semaphore, #tpu.memory_space<semaphore_mem>>) src(%arg4 : memref<104x128xf32, #tpu.memory_space<hbm>>) dst(%dma_wait3A_88 : memref<104x128xf32, #tpu.memory_space<vmem>>)
      tpu.yield
    }) : () -> ()
    %mul3A_4 = arith.constant 624 : i32
    %mul3A_5 = arith.muli %arg1, %mul3A_4 : i32
    %add3A_6 = arith.constant 0 : i32
    %add3A_7 = arith.addi %mul3A_5, %add3A_6 : i32
    %multiple_of3A_8 = tpu.assume_multiple %add3A_7, 8 : i32
    "tpu.region"() ({
      %run_scoped3A_78 = tpu.sem_alloc : memref<!tpu.dma_semaphore, #tpu.memory_space<semaphore_mem>>
      %dma_start3A = arith.constant 0 : i32
      %dma_start3A_79 = arith.constant 0 : i32
      %dma_start3A_80 = tpu.memref_slice %arg8[%dma_start3A, %dma_start3A_79] : memref<125x128xf32, #tpu.memory_space<vmem>> -> memref<104x128xf32, #tpu.memory_space<vmem>>
      %dma_start3A_81 = arith.constant 0 : i32
      %dma_start3A_82 = tpu.memref_slice %arg9[%multiple_of3A_8, %dma_start3A_81] : memref<10000x128xf32, #tpu.memory_space<vmem_shared>> -> memref<104x128xf32, #tpu.memory_space<vmem_shared>>
      %dma_start3A_83 = arith.constant 0 : i32
      %dma_start3A_84 = tpu.memref_slice %arg9[%multiple_of3A_8, %dma_start3A_83] : memref<10000x128xf32, #tpu.memory_space<vmem_shared>> -> memref<104x128xf32, #tpu.memory_space<vmem_shared>>
      %dma_start3A_85 = arith.constant 0 : i32
      %dma_start3A_86 = arith.constant 0 : i32
      %dma_start3A_87 = tpu.memref_slice %arg8[%dma_start3A_85, %dma_start3A_86] : memref<125x128xf32, #tpu.memory_space<vmem>> -> memref<104x128xf32, #tpu.memory_space<vmem>>
      tpu.enqueue_dma source(%dma_start3A_87 : memref<104x128xf32, #tpu.memory_space<vmem>>) target(%dma_start3A_84 : memref<104x128xf32, #tpu.memory_space<vmem_shared>>) target_semaphore(%run_scoped3A_78 : memref<!tpu.dma_semaphore, #tpu.memory_space<semaphore_mem>>)
      %dma_wait3A = arith.constant 0 : i32
      %dma_wait3A_88 = arith.constant 0 : i32
      %dma_wait3A_89 = tpu.memref_slice %arg8[%dma_wait3A, %dma_wait3A_88] : memref<125x128xf32, #tpu.memory_space<vmem>> -> memref<104x128xf32, #tpu.memory_space<vmem>>
      %dma_wait3A_90 = arith.constant 0 : i32
      %dma_wait3A_91 = tpu.memref_slice %arg9[%multiple_of3A_8, %dma_wait3A_90] : memref<10000x128xf32, #tpu.memory_space<vmem_shared>> -> memref<104x128xf32, #tpu.memory_space<vmem_shared>>
      %dma_wait3A_92 = arith.constant 0 : i32
      %dma_wait3A_93 = tpu.memref_slice %arg9[%multiple_of3A_8, %dma_wait3A_92] : memref<10000x128xf32, #tpu.memory_space<vmem_shared>> -> memref<104x128xf32, #tpu.memory_space<vmem_shared>>
      %dma_wait3A_94 = arith.constant 0 : i32
      %dma_wait3A_95 = arith.constant 0 : i32
      %dma_wait3A_96 = tpu.memref_slice %arg8[%dma_wait3A_94, %dma_wait3A_95] : memref<125x128xf32, #tpu.memory_space<vmem>> -> memref<104x128xf32, #tpu.memory_space<vmem>>
      tpu.wait_dma2 semaphore(%run_scoped3A_78 : memref<!tpu.dma_semaphore, #tpu.memory_space<semaphore_mem>>) src(%dma_wait3A_96 : memref<104x128xf32, #tpu.memory_space<vmem>>) dst(%dma_wait3A_93 : memref<104x128xf32, #tpu.memory_space<vmem_shared>>)
      tpu.yield
    }) : () -> ()
    %mul3A_9 = arith.constant 624 : i32
    %mul3A_10 = arith.muli %arg1, %mul3A_9 : i32
    %add3A_11 = arith.constant 104 : i32
    %add3A_12 = arith.addi %mul3A_10, %add3A_11 : i32
    %multiple_of3A_13 = tpu.assume_multiple %add3A_12, 8 : i32
    "tpu.region"() ({
      %run_scoped3A_78 = tpu.sem_alloc : memref<!tpu.dma_semaphore, #tpu.memory_space<semaphore_mem>>
      %dma_start3A = arith.constant 0 : i32
      %dma_start3A_79 = arith.constant 0 : i32
      %dma_start3A_80 = tpu.memref_slice %arg8[%dma_start3A, %dma_start3A_79] : memref<125x128xf32, #tpu.memory_space<vmem>> -> memref<104x128xf32, #tpu.memory_space<vmem>>
      %dma_start3A_81 = arith.constant 0 : i32
      %dma_start3A_82 = tpu.memref_slice %arg9[%multiple_of3A_13, %dma_start3A_81] : memref<10000x128xf32, #tpu.memory_space<vmem_shared>> -> memref<104x128xf32, #tpu.memory_space<vmem_shared>>
      %dma_start3A_83 = arith.constant 0 : i32
      %dma_start3A_84 = tpu.memref_slice %arg9[%multiple_of3A_13, %dma_start3A_83] : memref<10000x128xf32, #tpu.memory_space<vmem_shared>> -> memref<104x128xf32, #tpu.memory_space<vmem_shared>>
      %dma_start3A_85 = arith.constant 0 : i32
      %dma_start3A_86 = arith.constant 0 : i32
      %dma_start3A_87 = tpu.memref_slice %arg8[%dma_start3A_85, %dma_start3A_86] : memref<125x128xf32, #tpu.memory_space<vmem>> -> memref<104x128xf32, #tpu.memory_space<vmem>>
      tpu.enqueue_dma source(%dma_start3A_87 : memref<104x128xf32, #tpu.memory_space<vmem>>) target(%dma_start3A_84 : memref<104x128xf32, #tpu.memory_space<vmem_shared>>) target_semaphore(%run_scoped3A_78 : memref<!tpu.dma_semaphore, #tpu.memory_space<semaphore_mem>>)
      %dma_wait3A = arith.constant 0 : i32
      %dma_wait3A_88 = arith.constant 0 : i32
      %dma_wait3A_89 = tpu.memref_slice %arg8[%dma_wait3A, %dma_wait3A_88] : memref<125x128xf32, #tpu.memory_space<vmem>> -> memref<104x128xf32, #tpu.memory_space<vmem>>
      %dma_wait3A_90 = arith.constant 0 : i32
      %dma_wait3A_91 = tpu.memref_slice %arg9[%multiple_of3A_13, %dma_wait3A_90] : memref<10000x128xf32, #tpu.memory_space<vmem_shared>> -> memref<104x128xf32, #tpu.memory_space<vmem_shared>>
      %dma_wait3A_92 = arith.constant 0 : i32
      %dma_wait3A_93 = tpu.memref_slice %arg9[%multiple_of3A_13, %dma_wait3A_92] : memref<10000x128xf32, #tpu.memory_space<vmem_shared>> -> memref<104x128xf32, #tpu.memory_space<vmem_shared>>
      %dma_wait3A_94 = arith.constant 0 : i32
      %dma_wait3A_95 = arith.constant 0 : i32
      %dma_wait3A_96 = tpu.memref_slice %arg8[%dma_wait3A_94, %dma_wait3A_95] : memref<125x128xf32, #tpu.memory_space<vmem>> -> memref<104x128xf32, #tpu.memory_space<vmem>>
      tpu.wait_dma2 semaphore(%run_scoped3A_78 : memref<!tpu.dma_semaphore, #tpu.memory_space<semaphore_mem>>) src(%dma_wait3A_96 : memref<104x128xf32, #tpu.memory_space<vmem>>) dst(%dma_wait3A_93 : memref<104x128xf32, #tpu.memory_space<vmem_shared>>)
      tpu.yield
    }) : () -> ()
    %mul3A_14 = arith.constant 624 : i32
    %mul3A_15 = arith.muli %arg1, %mul3A_14 : i32
    %add3A_16 = arith.constant 208 : i32
    %add3A_17 = arith.addi %mul3A_15, %add3A_16 : i32
    %multiple_of3A_18 = tpu.assume_multiple %add3A_17, 8 : i32
    "tpu.region"() ({
      %run_scoped3A_78 = tpu.sem_alloc : memref<!tpu.dma_semaphore, #tpu.memory_space<semaphore_mem>>
      %dma_start3A = arith.constant 0 : i32
      %dma_start3A_79 = arith.constant 0 : i32
      %dma_start3A_80 = tpu.memref_slice %arg8[%dma_start3A, %dma_start3A_79] : memref<125x128xf32, #tpu.memory_space<vmem>> -> memref<104x128xf32, #tpu.memory_space<vmem>>
      %dma_start3A_81 = arith.constant 0 : i32
      %dma_start3A_82 = tpu.memref_slice %arg9[%multiple_of3A_18, %dma_start3A_81] : memref<10000x128xf32, #tpu.memory_space<vmem_shared>> -> memref<104x128xf32, #tpu.memory_space<vmem_shared>>
      %dma_start3A_83 = arith.constant 0 : i32
      %dma_start3A_84 = tpu.memref_slice %arg9[%multiple_of3A_18, %dma_start3A_83] : memref<10000x128xf32, #tpu.memory_space<vmem_shared>> -> memref<104x128xf32, #tpu.memory_space<vmem_shared>>
      %dma_start3A_85 = arith.constant 0 : i32
      %dma_start3A_86 = arith.constant 0 : i32
      %dma_start3A_87 = tpu.memref_slice %arg8[%dma_start3A_85, %dma_start3A_86] : memref<125x128xf32, #tpu.memory_space<vmem>> -> memref<104x128xf32, #tpu.memory_space<vmem>>
      tpu.enqueue_dma source(%dma_start3A_87 : memref<104x128xf32, #tpu.memory_space<vmem>>) target(%dma_start3A_84 : memref<104x128xf32, #tpu.memory_space<vmem_shared>>) target_semaphore(%run_scoped3A_78 : memref<!tpu.dma_semaphore, #tpu.memory_space<semaphore_mem>>)
      %dma_wait3A = arith.constant 0 : i32
      %dma_wait3A_88 = arith.constant 0 : i32
      %dma_wait3A_89 = tpu.memref_slice %arg8[%dma_wait3A, %dma_wait3A_88] : memref<125x128xf32, #tpu.memory_space<vmem>> -> memref<104x128xf32, #tpu.memory_space<vmem>>
      %dma_wait3A_90 = arith.constant 0 : i32
      %dma_wait3A_91 = tpu.memref_slice %arg9[%multiple_of3A_18, %dma_wait3A_90] : memref<10000x128xf32, #tpu.memory_space<vmem_shared>> -> memref<104x128xf32, #tpu.memory_space<vmem_shared>>
      %dma_wait3A_92 = arith.constant 0 : i32
      %dma_wait3A_93 = tpu.memref_slice %arg9[%multiple_of3A_18, %dma_wait3A_92] : memref<10000x128xf32, #tpu.memory_space<vmem_shared>> -> memref<104x128xf32, #tpu.memory_space<vmem_shared>>
      %dma_wait3A_94 = arith.constant 0 : i32
      %dma_wait3A_95 = arith.constant 0 : i32
      %dma_wait3A_96 = tpu.memref_slice %arg8[%dma_wait3A_94, %dma_wait3A_95] : memref<125x128xf32, #tpu.memory_space<vmem>> -> memref<104x128xf32, #tpu.memory_space<vmem>>
      tpu.wait_dma2 semaphore(%run_scoped3A_78 : memref<!tpu.dma_semaphore, #tpu.memory_space<semaphore_mem>>) src(%dma_wait3A_96 : memref<104x128xf32, #tpu.memory_space<vmem>>) dst(%dma_wait3A_93 : memref<104x128xf32, #tpu.memory_space<vmem_shared>>)
      tpu.yield
    }) : () -> ()
    %mul3A_19 = arith.constant 624 : i32
    %mul3A_20 = arith.muli %arg1, %mul3A_19 : i32
    %add3A_21 = arith.constant 312 : i32
    %add3A_22 = arith.addi %mul3A_20, %add3A_21 : i32
    %multiple_of3A_23 = tpu.assume_multiple %add3A_22, 8 : i32
    "tpu.region"() ({
      %run_scoped3A_78 = tpu.sem_alloc : memref<!tpu.dma_semaphore, #tpu.memory_space<semaphore_mem>>
      %dma_start3A = arith.constant 0 : i32
      %dma_start3A_79 = arith.constant 0 : i32
      %dma_start3A_80 = tpu.memref_slice %arg8[%dma_start3A, %dma_start3A_79] : memref<125x128xf32, #tpu.memory_space<vmem>> -> memref<104x128xf32, #tpu.memory_space<vmem>>
      %dma_start3A_81 = arith.constant 0 : i32
      %dma_start3A_82 = tpu.memref_slice %arg9[%multiple_of3A_23, %dma_start3A_81] : memref<10000x128xf32, #tpu.memory_space<vmem_shared>> -> memref<104x128xf32, #tpu.memory_space<vmem_shared>>
      %dma_start3A_83 = arith.constant 0 : i32
      %dma_start3A_84 = tpu.memref_slice %arg9[%multiple_of3A_23, %dma_start3A_83] : memref<10000x128xf32, #tpu.memory_space<vmem_shared>> -> memref<104x128xf32, #tpu.memory_space<vmem_shared>>
      %dma_start3A_85 = arith.constant 0 : i32
      %dma_start3A_86 = arith.constant 0 : i32
      %dma_start3A_87 = tpu.memref_slice %arg8[%dma_start3A_85, %dma_start3A_86] : memref<125x128xf32, #tpu.memory_space<vmem>> -> memref<104x128xf32, #tpu.memory_space<vmem>>
      tpu.enqueue_dma source(%dma_start3A_87 : memref<104x128xf32, #tpu.memory_space<vmem>>) target(%dma_start3A_84 : memref<104x128xf32, #tpu.memory_space<vmem_shared>>) target_semaphore(%run_scoped3A_78 : memref<!tpu.dma_semaphore, #tpu.memory_space<semaphore_mem>>)
      %dma_wait3A = arith.constant 0 : i32
      %dma_wait3A_88 = arith.constant 0 : i32
      %dma_wait3A_89 = tpu.memref_slice %arg8[%dma_wait3A, %dma_wait3A_88] : memref<125x128xf32, #tpu.memory_space<vmem>> -> memref<104x128xf32, #tpu.memory_space<vmem>>
      %dma_wait3A_90 = arith.constant 0 : i32
      %dma_wait3A_91 = tpu.memref_slice %arg9[%multiple_of3A_23, %dma_wait3A_90] : memref<10000x128xf32, #tpu.memory_space<vmem_shared>> -> memref<104x128xf32, #tpu.memory_space<vmem_shared>>
      %dma_wait3A_92 = arith.constant 0 : i32
      %dma_wait3A_93 = tpu.memref_slice %arg9[%multiple_of3A_23, %dma_wait3A_92] : memref<10000x128xf32, #tpu.memory_space<vmem_shared>> -> memref<104x128xf32, #tpu.memory_space<vmem_shared>>
      %dma_wait3A_94 = arith.constant 0 : i32
      %dma_wait3A_95 = arith.constant 0 : i32
      %dma_wait3A_96 = tpu.memref_slice %arg8[%dma_wait3A_94, %dma_wait3A_95] : memref<125x128xf32, #tpu.memory_space<vmem>> -> memref<104x128xf32, #tpu.memory_space<vmem>>
      tpu.wait_dma2 semaphore(%run_scoped3A_78 : memref<!tpu.dma_semaphore, #tpu.memory_space<semaphore_mem>>) src(%dma_wait3A_96 : memref<104x128xf32, #tpu.memory_space<vmem>>) dst(%dma_wait3A_93 : memref<104x128xf32, #tpu.memory_space<vmem_shared>>)
      tpu.yield
    }) : () -> ()
    %mul3A_24 = arith.constant 624 : i32
    %mul3A_25 = arith.muli %arg1, %mul3A_24 : i32
    %add3A_26 = arith.constant 416 : i32
    %add3A_27 = arith.addi %mul3A_25, %add3A_26 : i32
    %multiple_of3A_28 = tpu.assume_multiple %add3A_27, 8 : i32
    "tpu.region"() ({
      %run_scoped3A_78 = tpu.sem_alloc : memref<!tpu.dma_semaphore, #tpu.memory_space<semaphore_mem>>
      %dma_start3A = arith.constant 0 : i32
      %dma_start3A_79 = arith.constant 0 : i32
      %dma_start3A_80 = tpu.memref_slice %arg8[%dma_start3A, %dma_start3A_79] : memref<125x128xf32, #tpu.memory_space<vmem>> -> memref<104x128xf32, #tpu.memory_space<vmem>>
      %dma_start3A_81 = arith.constant 0 : i32
      %dma_start3A_82 = tpu.memref_slice %arg9[%multiple_of3A_28, %dma_start3A_81] : memref<10000x128xf32, #tpu.memory_space<vmem_shared>> -> memref<104x128xf32, #tpu.memory_space<vmem_shared>>
      %dma_start3A_83 = arith.constant 0 : i32
      %dma_start3A_84 = tpu.memref_slice %arg9[%multiple_of3A_28, %dma_start3A_83] : memref<10000x128xf32, #tpu.memory_space<vmem_shared>> -> memref<104x128xf32, #tpu.memory_space<vmem_shared>>
      %dma_start3A_85 = arith.constant 0 : i32
      %dma_start3A_86 = arith.constant 0 : i32
      %dma_start3A_87 = tpu.memref_slice %arg8[%dma_start3A_85, %dma_start3A_86] : memref<125x128xf32, #tpu.memory_space<vmem>> -> memref<104x128xf32, #tpu.memory_space<vmem>>
      tpu.enqueue_dma source(%dma_start3A_87 : memref<104x128xf32, #tpu.memory_space<vmem>>) target(%dma_start3A_84 : memref<104x128xf32, #tpu.memory_space<vmem_shared>>) target_semaphore(%run_scoped3A_78 : memref<!tpu.dma_semaphore, #tpu.memory_space<semaphore_mem>>)
      %dma_wait3A = arith.constant 0 : i32
      %dma_wait3A_88 = arith.constant 0 : i32
      %dma_wait3A_89 = tpu.memref_slice %arg8[%dma_wait3A, %dma_wait3A_88] : memref<125x128xf32, #tpu.memory_space<vmem>> -> memref<104x128xf32, #tpu.memory_space<vmem>>
      %dma_wait3A_90 = arith.constant 0 : i32
      %dma_wait3A_91 = tpu.memref_slice %arg9[%multiple_of3A_28, %dma_wait3A_90] : memref<10000x128xf32, #tpu.memory_space<vmem_shared>> -> memref<104x128xf32, #tpu.memory_space<vmem_shared>>
      %dma_wait3A_92 = arith.constant 0 : i32
      %dma_wait3A_93 = tpu.memref_slice %arg9[%multiple_of3A_28, %dma_wait3A_92] : memref<10000x128xf32, #tpu.memory_space<vmem_shared>> -> memref<104x128xf32, #tpu.memory_space<vmem_shared>>
      %dma_wait3A_94 = arith.constant 0 : i32
      %dma_wait3A_95 = arith.constant 0 : i32
      %dma_wait3A_96 = tpu.memref_slice %arg8[%dma_wait3A_94, %dma_wait3A_95] : memref<125x128xf32, #tpu.memory_space<vmem>> -> memref<104x128xf32, #tpu.memory_space<vmem>>
      tpu.wait_dma2 semaphore(%run_scoped3A_78 : memref<!tpu.dma_semaphore, #tpu.memory_space<semaphore_mem>>) src(%dma_wait3A_96 : memref<104x128xf32, #tpu.memory_space<vmem>>) dst(%dma_wait3A_93 : memref<104x128xf32, #tpu.memory_space<vmem_shared>>)
      tpu.yield
    }) : () -> ()
    %mul3A_29 = arith.constant 624 : i32
    %mul3A_30 = arith.muli %arg1, %mul3A_29 : i32
    %add3A_31 = arith.constant 520 : i32
    %add3A_32 = arith.addi %mul3A_30, %add3A_31 : i32
    %multiple_of3A_33 = tpu.assume_multiple %add3A_32, 8 : i32
    "tpu.region"() ({
      %run_scoped3A_78 = tpu.sem_alloc : memref<!tpu.dma_semaphore, #tpu.memory_space<semaphore_mem>>
      %dma_start3A = arith.constant 0 : i32
      %dma_start3A_79 = arith.constant 0 : i32
      %dma_start3A_80 = tpu.memref_slice %arg8[%dma_start3A, %dma_start3A_79] : memref<125x128xf32, #tpu.memory_space<vmem>> -> memref<104x128xf32, #tpu.memory_space<vmem>>
      %dma_start3A_81 = arith.constant 0 : i32
      %dma_start3A_82 = tpu.memref_slice %arg9[%multiple_of3A_33, %dma_start3A_81] : memref<10000x128xf32, #tpu.memory_space<vmem_shared>> -> memref<104x128xf32, #tpu.memory_space<vmem_shared>>
      %dma_start3A_83 = arith.constant 0 : i32
      %dma_start3A_84 = tpu.memref_slice %arg9[%multiple_of3A_33, %dma_start3A_83] : memref<10000x128xf32, #tpu.memory_space<vmem_shared>> -> memref<104x128xf32, #tpu.memory_space<vmem_shared>>
      %dma_start3A_85 = arith.constant 0 : i32
      %dma_start3A_86 = arith.constant 0 : i32
      %dma_start3A_87 = tpu.memref_slice %arg8[%dma_start3A_85, %dma_start3A_86] : memref<125x128xf32, #tpu.memory_space<vmem>> -> memref<104x128xf32, #tpu.memory_space<vmem>>
      tpu.enqueue_dma source(%dma_start3A_87 : memref<104x128xf32, #tpu.memory_space<vmem>>) target(%dma_start3A_84 : memref<104x128xf32, #tpu.memory_space<vmem_shared>>) target_semaphore(%run_scoped3A_78 : memref<!tpu.dma_semaphore, #tpu.memory_space<semaphore_mem>>)
      %dma_wait3A = arith.constant 0 : i32
      %dma_wait3A_88 = arith.constant 0 : i32
      %dma_wait3A_89 = tpu.memref_slice %arg8[%dma_wait3A, %dma_wait3A_88] : memref<125x128xf32, #tpu.memory_space<vmem>> -> memref<104x128xf32, #tpu.memory_space<vmem>>
      %dma_wait3A_90 = arith.constant 0 : i32
      %dma_wait3A_91 = tpu.memref_slice %arg9[%multiple_of3A_33, %dma_wait3A_90] : memref<10000x128xf32, #tpu.memory_space<vmem_shared>> -> memref<104x128xf32, #tpu.memory_space<vmem_shared>>
      %dma_wait3A_92 = arith.constant 0 : i32
      %dma_wait3A_93 = tpu.memref_slice %arg9[%multiple_of3A_33, %dma_wait3A_92] : memref<10000x128xf32, #tpu.memory_space<vmem_shared>> -> memref<104x128xf32, #tpu.memory_space<vmem_shared>>
      %dma_wait3A_94 = arith.constant 0 : i32
      %dma_wait3A_95 = arith.constant 0 : i32
      %dma_wait3A_96 = tpu.memref_slice %arg8[%dma_wait3A_94, %dma_wait3A_95] : memref<125x128xf32, #tpu.memory_space<vmem>> -> memref<104x128xf32, #tpu.memory_space<vmem>>
      tpu.wait_dma2 semaphore(%run_scoped3A_78 : memref<!tpu.dma_semaphore, #tpu.memory_space<semaphore_mem>>) src(%dma_wait3A_96 : memref<104x128xf32, #tpu.memory_space<vmem>>) dst(%dma_wait3A_93 : memref<104x128xf32, #tpu.memory_space<vmem_shared>>)
      tpu.yield
    }) : () -> ()
    %eq3A = arith.constant 15 : i32
    %eq3A_34 = arith.cmpi eq, %arg1, %eq3A : i32
    %convert_element_type3A = arith.extui %eq3A_34 : i1 to i32
    %cond3A = arith.constant 0 : i32
    %cond3A_35 = arith.cmpi ne, %convert_element_type3A, %cond3A : i32
    scf.if %cond3A_35 {
      "tpu.region"() ({
        %run_scoped3A_78 = tpu.sem_alloc : memref<!tpu.dma_semaphore, #tpu.memory_space<semaphore_mem>>
        %dma_start3A = arith.constant 0 : i32
        %dma_start3A_79 = arith.constant 0 : i32
        %dma_start3A_80 = tpu.memref_slice %arg8[%dma_start3A, %dma_start3A_79] : memref<125x128xf32, #tpu.memory_space<vmem>> -> memref<16x128xf32, #tpu.memory_space<vmem>>
        %dma_start3A_81 = arith.constant 9984 : i32
        %dma_start3A_82 = arith.constant 0 : i32
        %dma_start3A_83 = tpu.memref_slice %arg9[%dma_start3A_81, %dma_start3A_82] : memref<10000x128xf32, #tpu.memory_space<vmem_shared>> -> memref<16x128xf32, #tpu.memory_space<vmem_shared>>
        %dma_start3A_84 = arith.constant 9984 : i32
        %dma_start3A_85 = arith.constant 0 : i32
        %dma_start3A_86 = tpu.memref_slice %arg9[%dma_start3A_84, %dma_start3A_85] : memref<10000x128xf32, #tpu.memory_space<vmem_shared>> -> memref<16x128xf32, #tpu.memory_space<vmem_shared>>
        %dma_start3A_87 = arith.constant 0 : i32
        %dma_start3A_88 = arith.constant 0 : i32
        %dma_start3A_89 = tpu.memref_slice %arg8[%dma_start3A_87, %dma_start3A_88] : memref<125x128xf32, #tpu.memory_space<vmem>> -> memref<16x128xf32, #tpu.memory_space<vmem>>
        tpu.enqueue_dma source(%dma_start3A_89 : memref<16x128xf32, #tpu.memory_space<vmem>>) target(%dma_start3A_86 : memref<16x128xf32, #tpu.memory_space<vmem_shared>>) target_semaphore(%run_scoped3A_78 : memref<!tpu.dma_semaphore, #tpu.memory_space<semaphore_mem>>)
        %dma_wait3A = arith.constant 0 : i32
        %dma_wait3A_90 = arith.constant 0 : i32
        %dma_wait3A_91 = tpu.memref_slice %arg8[%dma_wait3A, %dma_wait3A_90] : memref<125x128xf32, #tpu.memory_space<vmem>> -> memref<16x128xf32, #tpu.memory_space<vmem>>
        %dma_wait3A_92 = arith.constant 9984 : i32
        %dma_wait3A_93 = arith.constant 0 : i32
        %dma_wait3A_94 = tpu.memref_slice %arg9[%dma_wait3A_92, %dma_wait3A_93] : memref<10000x128xf32, #tpu.memory_space<vmem_shared>> -> memref<16x128xf32, #tpu.memory_space<vmem_shared>>
        %dma_wait3A_95 = arith.constant 9984 : i32
        %dma_wait3A_96 = arith.constant 0 : i32
        %dma_wait3A_97 = tpu.memref_slice %arg9[%dma_wait3A_95, %dma_wait3A_96] : memref<10000x128xf32, #tpu.memory_space<vmem_shared>> -> memref<16x128xf32, #tpu.memory_space<vmem_shared>>
        %dma_wait3A_98 = arith.constant 0 : i32
        %dma_wait3A_99 = arith.constant 0 : i32
        %dma_wait3A_100 = tpu.memref_slice %arg8[%dma_wait3A_98, %dma_wait3A_99] : memref<125x128xf32, #tpu.memory_space<vmem>> -> memref<16x128xf32, #tpu.memory_space<vmem>>
        tpu.wait_dma2 semaphore(%run_scoped3A_78 : memref<!tpu.dma_semaphore, #tpu.memory_space<semaphore_mem>>) src(%dma_wait3A_100 : memref<16x128xf32, #tpu.memory_space<vmem>>) dst(%dma_wait3A_97 : memref<16x128xf32, #tpu.memory_space<vmem_shared>>)
        tpu.yield
      }) : () -> ()
    } else {
    }
    %barrier3A = arith.constant 0 : index
    tpu.barrier barrier_id(%barrier3A)
    %scan3A = arith.constant 0 : i32
    %scan3A_36 = arith.constant 0 : i32
    %scan3A_37 = arith.constant 80 : i32
    %scan3A_38 = arith.addi %scan3A_36, %scan3A_37 : i32
    %scan3A_39 = arith.constant 1 : i32
    %scan3A_40 = scf.for %scan3A_78 = %scan3A_36 to %scan3A_38 step %scan3A_39 iter_args(%scan3A_79 = %scan3A) -> (i32)  : i32 {
      %dma_start3A = arith.constant 0 : i32
      %dma_start3A_80 = tpu.memref_slice %arg7[%scan3A_78, %dma_start3A] : memref<80x125xi32, #tpu.memory_space<vmem>> -> memref<1x125xi32, #tpu.memory_space<vmem>>
      %dma_start3A_81 = tpu.memref_squeeze %dma_start3A_80 : memref<1x125xi32, #tpu.memory_space<vmem>> -> memref<125xi32, #tpu.memory_space<vmem>>
      %dma_start3A_82 = arith.constant 0 : i32
      %dma_start3A_83 = arith.constant 0 : i32
      %dma_start3A_84 = tpu.memref_slice %arg2[%dma_start3A_82, %dma_start3A_83] : memref<10000x128xf32, #tpu.memory_space<hbm>> -> memref<10000x128xf32, #tpu.memory_space<hbm>>
      tpu.enqueue_indirect_dma source(%dma_start3A_84 : memref<10000x128xf32, #tpu.memory_space<hbm>>) target(%arg8 : memref<125x128xf32, #tpu.memory_space<vmem>>) offsets(%dma_start3A_81 : memref<125xi32, #tpu.memory_space<vmem>>) semaphore(%arg10 : memref<!tpu.dma_semaphore, #tpu.memory_space<semaphore_mem>>)
      %dma_wait3A = arith.constant 0 : i32
      %dma_wait3A_85 = tpu.memref_slice %arg7[%scan3A_78, %dma_wait3A] : memref<80x125xi32, #tpu.memory_space<vmem>> -> memref<1x125xi32, #tpu.memory_space<vmem>>
      %dma_wait3A_86 = tpu.memref_squeeze %dma_wait3A_85 : memref<1x125xi32, #tpu.memory_space<vmem>> -> memref<125xi32, #tpu.memory_space<vmem>>
      %dma_wait3A_87 = arith.constant 0 : i32
      %dma_wait3A_88 = arith.constant 0 : i32
      %dma_wait3A_89 = tpu.memref_slice %arg2[%dma_wait3A_87, %dma_wait3A_88] : memref<10000x128xf32, #tpu.memory_space<hbm>> -> memref<10000x128xf32, #tpu.memory_space<hbm>>
      tpu.wait_indirect_dma semaphore(%arg10 : memref<!tpu.dma_semaphore, #tpu.memory_space<semaphore_mem>>) src(%dma_wait3A_89 : memref<10000x128xf32, #tpu.memory_space<hbm>>) dst(%arg8 : memref<125x128xf32, #tpu.memory_space<vmem>>)
      "tpu.region"() ({
        %run_scoped3A_91 = tpu.sem_alloc : memref<!tpu.dma_semaphore, #tpu.memory_space<semaphore_mem>>
        %dma_start3A_92 = arith.constant 0 : i32
        %dma_start3A_93 = tpu.memref_slice %arg6[%scan3A_78, %dma_start3A_92] : memref<80x125xi32, #tpu.memory_space<vmem>> -> memref<1x125xi32, #tpu.memory_space<vmem>>
        %dma_start3A_94 = tpu.memref_squeeze %dma_start3A_93 : memref<1x125xi32, #tpu.memory_space<vmem>> -> memref<125xi32, #tpu.memory_space<vmem>>
        %dma_start3A_95 = arith.constant 0 : i32
        %dma_start3A_96 = arith.constant 0 : i32
        %dma_start3A_97 = tpu.memref_slice %arg9[%dma_start3A_95, %dma_start3A_96] : memref<10000x128xf32, #tpu.memory_space<vmem_shared>> -> memref<10000x128xf32, #tpu.memory_space<vmem_shared>>
        tpu.enqueue_indirect_dma source(%arg8 : memref<125x128xf32, #tpu.memory_space<vmem>>) target(%dma_start3A_97 : memref<10000x128xf32, #tpu.memory_space<vmem_shared>>) offsets(%dma_start3A_94 : memref<125xi32, #tpu.memory_space<vmem>>) semaphore(%run_scoped3A_91 : memref<!tpu.dma_semaphore, #tpu.memory_space<semaphore_mem>>) {add = true}
        %dma_wait3A_98 = arith.constant 0 : i32
        %dma_wait3A_99 = tpu.memref_slice %arg6[%scan3A_78, %dma_wait3A_98] : memref<80x125xi32, #tpu.memory_space<vmem>> -> memref<1x125xi32, #tpu.memory_space<vmem>>
        %dma_wait3A_100 = tpu.memref_squeeze %dma_wait3A_99 : memref<1x125xi32, #tpu.memory_space<vmem>> -> memref<125xi32, #tpu.memory_space<vmem>>
        %dma_wait3A_101 = arith.constant 0 : i32
        %dma_wait3A_102 = arith.constant 0 : i32
        %dma_wait3A_103 = tpu.memref_slice %arg9[%dma_wait3A_101, %dma_wait3A_102] : memref<10000x128xf32, #tpu.memory_space<vmem_shared>> -> memref<10000x128xf32, #tpu.memory_space<vmem_shared>>
        tpu.wait_indirect_dma semaphore(%run_scoped3A_91 : memref<!tpu.dma_semaphore, #tpu.memory_space<semaphore_mem>>) src(%arg8 : memref<125x128xf32, #tpu.memory_space<vmem>>) dst(%dma_wait3A_103 : memref<10000x128xf32, #tpu.memory_space<vmem_shared>>)
        tpu.yield
      }) : () -> ()
      %scan3A_90 = arith.constant 0 : i32
      scf.yield %scan3A_90 : i32
    }
    %scan3A_41 = arith.constant 80 : i32
    %barrier3A_42 = arith.constant 0 : index
    tpu.barrier barrier_id(%barrier3A_42)
    %mul3A_43 = arith.constant 624 : i32
    %mul3A_44 = arith.muli %arg1, %mul3A_43 : i32
    %add3A_45 = arith.constant 0 : i32
    %add3A_46 = arith.addi %mul3A_44, %add3A_45 : i32
    %multiple_of3A_47 = tpu.assume_multiple %add3A_46, 8 : i32
    "tpu.region"() ({
      %run_scoped3A_78 = tpu.sem_alloc : memref<!tpu.dma_semaphore, #tpu.memory_space<semaphore_mem>>
      %dma_start3A = arith.constant 0 : i32
      %dma_start3A_79 = arith.constant 0 : i32
      %dma_start3A_80 = tpu.memref_slice %arg8[%dma_start3A, %dma_start3A_79] : memref<125x128xf32, #tpu.memory_space<vmem>> -> memref<104x128xf32, #tpu.memory_space<vmem>>
      %dma_start3A_81 = arith.constant 0 : i32
      %dma_start3A_82 = tpu.memref_slice %arg9[%multiple_of3A_47, %dma_start3A_81] : memref<10000x128xf32, #tpu.memory_space<vmem_shared>> -> memref<104x128xf32, #tpu.memory_space<vmem_shared>>
      %dma_start3A_83 = arith.constant 0 : i32
      %dma_start3A_84 = arith.constant 0 : i32
      %dma_start3A_85 = tpu.memref_slice %arg8[%dma_start3A_83, %dma_start3A_84] : memref<125x128xf32, #tpu.memory_space<vmem>> -> memref<104x128xf32, #tpu.memory_space<vmem>>
      %dma_start3A_86 = arith.constant 0 : i32
      %dma_start3A_87 = tpu.memref_slice %arg9[%multiple_of3A_47, %dma_start3A_86] : memref<10000x128xf32, #tpu.memory_space<vmem_shared>> -> memref<104x128xf32, #tpu.memory_space<vmem_shared>>
      tpu.enqueue_dma source(%dma_start3A_87 : memref<104x128xf32, #tpu.memory_space<vmem_shared>>) target(%dma_start3A_85 : memref<104x128xf32, #tpu.memory_space<vmem>>) target_semaphore(%run_scoped3A_78 : memref<!tpu.dma_semaphore, #tpu.memory_space<semaphore_mem>>)
      %dma_wait3A = arith.constant 0 : i32
      %dma_wait3A_88 = arith.constant 0 : i32
      %dma_wait3A_89 = tpu.memref_slice %arg8[%dma_wait3A, %dma_wait3A_88] : memref<125x128xf32, #tpu.memory_space<vmem>> -> memref<104x128xf32, #tpu.memory_space<vmem>>
      %dma_wait3A_90 = arith.constant 0 : i32
      %dma_wait3A_91 = tpu.memref_slice %arg9[%multiple_of3A_47, %dma_wait3A_90] : memref<10000x128xf32, #tpu.memory_space<vmem_shared>> -> memref<104x128xf32, #tpu.memory_space<vmem_shared>>
      %dma_wait3A_92 = arith.constant 0 : i32
      %dma_wait3A_93 = arith.constant 0 : i32
      %dma_wait3A_94 = tpu.memref_slice %arg8[%dma_wait3A_92, %dma_wait3A_93] : memref<125x128xf32, #tpu.memory_space<vmem>> -> memref<104x128xf32, #tpu.memory_space<vmem>>
      %dma_wait3A_95 = arith.constant 0 : i32
      %dma_wait3A_96 = tpu.memref_slice %arg9[%multiple_of3A_47, %dma_wait3A_95] : memref<10000x128xf32, #tpu.memory_space<vmem_shared>> -> memref<104x128xf32, #tpu.memory_space<vmem_shared>>
      tpu.wait_dma2 semaphore(%run_scoped3A_78 : memref<!tpu.dma_semaphore, #tpu.memory_space<semaphore_mem>>) src(%dma_wait3A_96 : memref<104x128xf32, #tpu.memory_space<vmem_shared>>) dst(%dma_wait3A_94 : memref<104x128xf32, #tpu.memory_space<vmem>>)
      tpu.yield
    }) : () -> ()
    "tpu.region"() ({
      %run_scoped3A_78 = tpu.sem_alloc : memref<!tpu.dma_semaphore, #tpu.memory_space<semaphore_mem>>
      %dma_start3A = arith.constant 0 : i32
      %dma_start3A_79 = arith.constant 0 : i32
      %dma_start3A_80 = tpu.memref_slice %arg8[%dma_start3A, %dma_start3A_79] : memref<125x128xf32, #tpu.memory_space<vmem>> -> memref<104x128xf32, #tpu.memory_space<vmem>>
      %dma_start3A_81 = arith.constant 0 : i32
      %dma_start3A_82 = tpu.memref_slice %arg5[%arg0, %multiple_of3A_47, %dma_start3A_81] : memref<2x10000x128xf32, #tpu.memory_space<hbm>> -> memref<1x104x128xf32, #tpu.memory_space<hbm>>
      %dma_start3A_83 = tpu.memref_squeeze %dma_start3A_82 : memref<1x104x128xf32, #tpu.memory_space<hbm>> -> memref<104x128xf32, #tpu.memory_space<hbm>>
      %dma_start3A_84 = arith.constant 0 : i32
      %dma_start3A_85 = tpu.memref_slice %arg5[%arg0, %multiple_of3A_47, %dma_start3A_84] : memref<2x10000x128xf32, #tpu.memory_space<hbm>> -> memref<1x104x128xf32, #tpu.memory_space<hbm>>
      %dma_start3A_86 = tpu.memref_squeeze %dma_start3A_85 : memref<1x104x128xf32, #tpu.memory_space<hbm>> -> memref<104x128xf32, #tpu.memory_space<hbm>>
      %dma_start3A_87 = arith.constant 0 : i32
      %dma_start3A_88 = arith.constant 0 : i32
      %dma_start3A_89 = tpu.memref_slice %arg8[%dma_start3A_87, %dma_start3A_88] : memref<125x128xf32, #tpu.memory_space<vmem>> -> memref<104x128xf32, #tpu.memory_space<vmem>>
      tpu.enqueue_dma source(%dma_start3A_89 : memref<104x128xf32, #tpu.memory_space<vmem>>) target(%dma_start3A_86 : memref<104x128xf32, #tpu.memory_space<hbm>>) target_semaphore(%run_scoped3A_78 : memref<!tpu.dma_semaphore, #tpu.memory_space<semaphore_mem>>)
      %dma_wait3A = arith.constant 0 : i32
      %dma_wait3A_90 = arith.constant 0 : i32
      %dma_wait3A_91 = tpu.memref_slice %arg8[%dma_wait3A, %dma_wait3A_90] : memref<125x128xf32, #tpu.memory_space<vmem>> -> memref<104x128xf32, #tpu.memory_space<vmem>>
      %dma_wait3A_92 = arith.constant 0 : i32
      %dma_wait3A_93 = tpu.memref_slice %arg5[%arg0, %multiple_of3A_47, %dma_wait3A_92] : memref<2x10000x128xf32, #tpu.memory_space<hbm>> -> memref<1x104x128xf32, #tpu.memory_space<hbm>>
      %dma_wait3A_94 = tpu.memref_squeeze %dma_wait3A_93 : memref<1x104x128xf32, #tpu.memory_space<hbm>> -> memref<104x128xf32, #tpu.memory_space<hbm>>
      %dma_wait3A_95 = arith.constant 0 : i32
      %dma_wait3A_96 = tpu.memref_slice %arg5[%arg0, %multiple_of3A_47, %dma_wait3A_95] : memref<2x10000x128xf32, #tpu.memory_space<hbm>> -> memref<1x104x128xf32, #tpu.memory_space<hbm>>
      %dma_wait3A_97 = tpu.memref_squeeze %dma_wait3A_96 : memref<1x104x128xf32, #tpu.memory_space<hbm>> -> memref<104x128xf32, #tpu.memory_space<hbm>>
      %dma_wait3A_98 = arith.constant 0 : i32
      %dma_wait3A_99 = arith.constant 0 : i32
      %dma_wait3A_100 = tpu.memref_slice %arg8[%dma_wait3A_98, %dma_wait3A_99] : memref<125x128xf32, #tpu.memory_space<vmem>> -> memref<104x128xf32, #tpu.memory_space<vmem>>
      tpu.wait_dma2 semaphore(%run_scoped3A_78 : memref<!tpu.dma_semaphore, #tpu.memory_space<semaphore_mem>>) src(%dma_wait3A_100 : memref<104x128xf32, #tpu.memory_space<vmem>>) dst(%dma_wait3A_97 : memref<104x128xf32, #tpu.memory_space<hbm>>)
      tpu.yield
    }) : () -> ()
    %mul3A_48 = arith.constant 624 : i32
    %mul3A_49 = arith.muli %arg1, %mul3A_48 : i32
    %add3A_50 = arith.constant 104 : i32
    %add3A_51 = arith.addi %mul3A_49, %add3A_50 : i32
    %multiple_of3A_52 = tpu.assume_multiple %add3A_51, 8 : i32
    "tpu.region"() ({
      %run_scoped3A_78 = tpu.sem_alloc : memref<!tpu.dma_semaphore, #tpu.memory_space<semaphore_mem>>
      %dma_start3A = arith.constant 0 : i32
      %dma_start3A_79 = arith.constant 0 : i32
      %dma_start3A_80 = tpu.memref_slice %arg8[%dma_start3A, %dma_start3A_79] : memref<125x128xf32, #tpu.memory_space<vmem>> -> memref<104x128xf32, #tpu.memory_space<vmem>>
      %dma_start3A_81 = arith.constant 0 : i32
      %dma_start3A_82 = tpu.memref_slice %arg9[%multiple_of3A_52, %dma_start3A_81] : memref<10000x128xf32, #tpu.memory_space<vmem_shared>> -> memref<104x128xf32, #tpu.memory_space<vmem_shared>>
      %dma_start3A_83 = arith.constant 0 : i32
      %dma_start3A_84 = arith.constant 0 : i32
      %dma_start3A_85 = tpu.memref_slice %arg8[%dma_start3A_83, %dma_start3A_84] : memref<125x128xf32, #tpu.memory_space<vmem>> -> memref<104x128xf32, #tpu.memory_space<vmem>>
      %dma_start3A_86 = arith.constant 0 : i32
      %dma_start3A_87 = tpu.memref_slice %arg9[%multiple_of3A_52, %dma_start3A_86] : memref<10000x128xf32, #tpu.memory_space<vmem_shared>> -> memref<104x128xf32, #tpu.memory_space<vmem_shared>>
      tpu.enqueue_dma source(%dma_start3A_87 : memref<104x128xf32, #tpu.memory_space<vmem_shared>>) target(%dma_start3A_85 : memref<104x128xf32, #tpu.memory_space<vmem>>) target_semaphore(%run_scoped3A_78 : memref<!tpu.dma_semaphore, #tpu.memory_space<semaphore_mem>>)
      %dma_wait3A = arith.constant 0 : i32
      %dma_wait3A_88 = arith.constant 0 : i32
      %dma_wait3A_89 = tpu.memref_slice %arg8[%dma_wait3A, %dma_wait3A_88] : memref<125x128xf32, #tpu.memory_space<vmem>> -> memref<104x128xf32, #tpu.memory_space<vmem>>
      %dma_wait3A_90 = arith.constant 0 : i32
      %dma_wait3A_91 = tpu.memref_slice %arg9[%multiple_of3A_52, %dma_wait3A_90] : memref<10000x128xf32, #tpu.memory_space<vmem_shared>> -> memref<104x128xf32, #tpu.memory_space<vmem_shared>>
      %dma_wait3A_92 = arith.constant 0 : i32
      %dma_wait3A_93 = arith.constant 0 : i32
      %dma_wait3A_94 = tpu.memref_slice %arg8[%dma_wait3A_92, %dma_wait3A_93] : memref<125x128xf32, #tpu.memory_space<vmem>> -> memref<104x128xf32, #tpu.memory_space<vmem>>
      %dma_wait3A_95 = arith.constant 0 : i32
      %dma_wait3A_96 = tpu.memref_slice %arg9[%multiple_of3A_52, %dma_wait3A_95] : memref<10000x128xf32, #tpu.memory_space<vmem_shared>> -> memref<104x128xf32, #tpu.memory_space<vmem_shared>>
      tpu.wait_dma2 semaphore(%run_scoped3A_78 : memref<!tpu.dma_semaphore, #tpu.memory_space<semaphore_mem>>) src(%dma_wait3A_96 : memref<104x128xf32, #tpu.memory_space<vmem_shared>>) dst(%dma_wait3A_94 : memref<104x128xf32, #tpu.memory_space<vmem>>)
      tpu.yield
    }) : () -> ()
    "tpu.region"() ({
      %run_scoped3A_78 = tpu.sem_alloc : memref<!tpu.dma_semaphore, #tpu.memory_space<semaphore_mem>>
      %dma_start3A = arith.constant 0 : i32
      %dma_start3A_79 = arith.constant 0 : i32
      %dma_start3A_80 = tpu.memref_slice %arg8[%dma_start3A, %dma_start3A_79] : memref<125x128xf32, #tpu.memory_space<vmem>> -> memref<104x128xf32, #tpu.memory_space<vmem>>
      %dma_start3A_81 = arith.constant 0 : i32
      %dma_start3A_82 = tpu.memref_slice %arg5[%arg0, %multiple_of3A_52, %dma_start3A_81] : memref<2x10000x128xf32, #tpu.memory_space<hbm>> -> memref<1x104x128xf32, #tpu.memory_space<hbm>>
      %dma_start3A_83 = tpu.memref_squeeze %dma_start3A_82 : memref<1x104x128xf32, #tpu.memory_space<hbm>> -> memref<104x128xf32, #tpu.memory_space<hbm>>
      %dma_start3A_84 = arith.constant 0 : i32
      %dma_start3A_85 = tpu.memref_slice %arg5[%arg0, %multiple_of3A_52, %dma_start3A_84] : memref<2x10000x128xf32, #tpu.memory_space<hbm>> -> memref<1x104x128xf32, #tpu.memory_space<hbm>>
      %dma_start3A_86 = tpu.memref_squeeze %dma_start3A_85 : memref<1x104x128xf32, #tpu.memory_space<hbm>> -> memref<104x128xf32, #tpu.memory_space<hbm>>
      %dma_start3A_87 = arith.constant 0 : i32
      %dma_start3A_88 = arith.constant 0 : i32
      %dma_start3A_89 = tpu.memref_slice %arg8[%dma_start3A_87, %dma_start3A_88] : memref<125x128xf32, #tpu.memory_space<vmem>> -> memref<104x128xf32, #tpu.memory_space<vmem>>
      tpu.enqueue_dma source(%dma_start3A_89 : memref<104x128xf32, #tpu.memory_space<vmem>>) target(%dma_start3A_86 : memref<104x128xf32, #tpu.memory_space<hbm>>) target_semaphore(%run_scoped3A_78 : memref<!tpu.dma_semaphore, #tpu.memory_space<semaphore_mem>>)
      %dma_wait3A = arith.constant 0 : i32
      %dma_wait3A_90 = arith.constant 0 : i32
      %dma_wait3A_91 = tpu.memref_slice %arg8[%dma_wait3A, %dma_wait3A_90] : memref<125x128xf32, #tpu.memory_space<vmem>> -> memref<104x128xf32, #tpu.memory_space<vmem>>
      %dma_wait3A_92 = arith.constant 0 : i32
      %dma_wait3A_93 = tpu.memref_slice %arg5[%arg0, %multiple_of3A_52, %dma_wait3A_92] : memref<2x10000x128xf32, #tpu.memory_space<hbm>> -> memref<1x104x128xf32, #tpu.memory_space<hbm>>
      %dma_wait3A_94 = tpu.memref_squeeze %dma_wait3A_93 : memref<1x104x128xf32, #tpu.memory_space<hbm>> -> memref<104x128xf32, #tpu.memory_space<hbm>>
      %dma_wait3A_95 = arith.constant 0 : i32
      %dma_wait3A_96 = tpu.memref_slice %arg5[%arg0, %multiple_of3A_52, %dma_wait3A_95] : memref<2x10000x128xf32, #tpu.memory_space<hbm>> -> memref<1x104x128xf32, #tpu.memory_space<hbm>>
      %dma_wait3A_97 = tpu.memref_squeeze %dma_wait3A_96 : memref<1x104x128xf32, #tpu.memory_space<hbm>> -> memref<104x128xf32, #tpu.memory_space<hbm>>
      %dma_wait3A_98 = arith.constant 0 : i32
      %dma_wait3A_99 = arith.constant 0 : i32
      %dma_wait3A_100 = tpu.memref_slice %arg8[%dma_wait3A_98, %dma_wait3A_99] : memref<125x128xf32, #tpu.memory_space<vmem>> -> memref<104x128xf32, #tpu.memory_space<vmem>>
      tpu.wait_dma2 semaphore(%run_scoped3A_78 : memref<!tpu.dma_semaphore, #tpu.memory_space<semaphore_mem>>) src(%dma_wait3A_100 : memref<104x128xf32, #tpu.memory_space<vmem>>) dst(%dma_wait3A_97 : memref<104x128xf32, #tpu.memory_space<hbm>>)
      tpu.yield
    }) : () -> ()
    %mul3A_53 = arith.constant 624 : i32
    %mul3A_54 = arith.muli %arg1, %mul3A_53 : i32
    %add3A_55 = arith.constant 208 : i32
    %add3A_56 = arith.addi %mul3A_54, %add3A_55 : i32
    %multiple_of3A_57 = tpu.assume_multiple %add3A_56, 8 : i32
    "tpu.region"() ({
      %run_scoped3A_78 = tpu.sem_alloc : memref<!tpu.dma_semaphore, #tpu.memory_space<semaphore_mem>>
      %dma_start3A = arith.constant 0 : i32
      %dma_start3A_79 = arith.constant 0 : i32
      %dma_start3A_80 = tpu.memref_slice %arg8[%dma_start3A, %dma_start3A_79] : memref<125x128xf32, #tpu.memory_space<vmem>> -> memref<104x128xf32, #tpu.memory_space<vmem>>
      %dma_start3A_81 = arith.constant 0 : i32
      %dma_start3A_82 = tpu.memref_slice %arg9[%multiple_of3A_57, %dma_start3A_81] : memref<10000x128xf32, #tpu.memory_space<vmem_shared>> -> memref<104x128xf32, #tpu.memory_space<vmem_shared>>
      %dma_start3A_83 = arith.constant 0 : i32
      %dma_start3A_84 = arith.constant 0 : i32
      %dma_start3A_85 = tpu.memref_slice %arg8[%dma_start3A_83, %dma_start3A_84] : memref<125x128xf32, #tpu.memory_space<vmem>> -> memref<104x128xf32, #tpu.memory_space<vmem>>
      %dma_start3A_86 = arith.constant 0 : i32
      %dma_start3A_87 = tpu.memref_slice %arg9[%multiple_of3A_57, %dma_start3A_86] : memref<10000x128xf32, #tpu.memory_space<vmem_shared>> -> memref<104x128xf32, #tpu.memory_space<vmem_shared>>
      tpu.enqueue_dma source(%dma_start3A_87 : memref<104x128xf32, #tpu.memory_space<vmem_shared>>) target(%dma_start3A_85 : memref<104x128xf32, #tpu.memory_space<vmem>>) target_semaphore(%run_scoped3A_78 : memref<!tpu.dma_semaphore, #tpu.memory_space<semaphore_mem>>)
      %dma_wait3A = arith.constant 0 : i32
      %dma_wait3A_88 = arith.constant 0 : i32
      %dma_wait3A_89 = tpu.memref_slice %arg8[%dma_wait3A, %dma_wait3A_88] : memref<125x128xf32, #tpu.memory_space<vmem>> -> memref<104x128xf32, #tpu.memory_space<vmem>>
      %dma_wait3A_90 = arith.constant 0 : i32
      %dma_wait3A_91 = tpu.memref_slice %arg9[%multiple_of3A_57, %dma_wait3A_90] : memref<10000x128xf32, #tpu.memory_space<vmem_shared>> -> memref<104x128xf32, #tpu.memory_space<vmem_shared>>
      %dma_wait3A_92 = arith.constant 0 : i32
      %dma_wait3A_93 = arith.constant 0 : i32
      %dma_wait3A_94 = tpu.memref_slice %arg8[%dma_wait3A_92, %dma_wait3A_93] : memref<125x128xf32, #tpu.memory_space<vmem>> -> memref<104x128xf32, #tpu.memory_space<vmem>>
      %dma_wait3A_95 = arith.constant 0 : i32
      %dma_wait3A_96 = tpu.memref_slice %arg9[%multiple_of3A_57, %dma_wait3A_95] : memref<10000x128xf32, #tpu.memory_space<vmem_shared>> -> memref<104x128xf32, #tpu.memory_space<vmem_shared>>
      tpu.wait_dma2 semaphore(%run_scoped3A_78 : memref<!tpu.dma_semaphore, #tpu.memory_space<semaphore_mem>>) src(%dma_wait3A_96 : memref<104x128xf32, #tpu.memory_space<vmem_shared>>) dst(%dma_wait3A_94 : memref<104x128xf32, #tpu.memory_space<vmem>>)
      tpu.yield
    }) : () -> ()
    "tpu.region"() ({
      %run_scoped3A_78 = tpu.sem_alloc : memref<!tpu.dma_semaphore, #tpu.memory_space<semaphore_mem>>
      %dma_start3A = arith.constant 0 : i32
      %dma_start3A_79 = arith.constant 0 : i32
      %dma_start3A_80 = tpu.memref_slice %arg8[%dma_start3A, %dma_start3A_79] : memref<125x128xf32, #tpu.memory_space<vmem>> -> memref<104x128xf32, #tpu.memory_space<vmem>>
      %dma_start3A_81 = arith.constant 0 : i32
      %dma_start3A_82 = tpu.memref_slice %arg5[%arg0, %multiple_of3A_57, %dma_start3A_81] : memref<2x10000x128xf32, #tpu.memory_space<hbm>> -> memref<1x104x128xf32, #tpu.memory_space<hbm>>
      %dma_start3A_83 = tpu.memref_squeeze %dma_start3A_82 : memref<1x104x128xf32, #tpu.memory_space<hbm>> -> memref<104x128xf32, #tpu.memory_space<hbm>>
      %dma_start3A_84 = arith.constant 0 : i32
      %dma_start3A_85 = tpu.memref_slice %arg5[%arg0, %multiple_of3A_57, %dma_start3A_84] : memref<2x10000x128xf32, #tpu.memory_space<hbm>> -> memref<1x104x128xf32, #tpu.memory_space<hbm>>
      %dma_start3A_86 = tpu.memref_squeeze %dma_start3A_85 : memref<1x104x128xf32, #tpu.memory_space<hbm>> -> memref<104x128xf32, #tpu.memory_space<hbm>>
      %dma_start3A_87 = arith.constant 0 : i32
      %dma_start3A_88 = arith.constant 0 : i32
      %dma_start3A_89 = tpu.memref_slice %arg8[%dma_start3A_87, %dma_start3A_88] : memref<125x128xf32, #tpu.memory_space<vmem>> -> memref<104x128xf32, #tpu.memory_space<vmem>>
      tpu.enqueue_dma source(%dma_start3A_89 : memref<104x128xf32, #tpu.memory_space<vmem>>) target(%dma_start3A_86 : memref<104x128xf32, #tpu.memory_space<hbm>>) target_semaphore(%run_scoped3A_78 : memref<!tpu.dma_semaphore, #tpu.memory_space<semaphore_mem>>)
      %dma_wait3A = arith.constant 0 : i32
      %dma_wait3A_90 = arith.constant 0 : i32
      %dma_wait3A_91 = tpu.memref_slice %arg8[%dma_wait3A, %dma_wait3A_90] : memref<125x128xf32, #tpu.memory_space<vmem>> -> memref<104x128xf32, #tpu.memory_space<vmem>>
      %dma_wait3A_92 = arith.constant 0 : i32
      %dma_wait3A_93 = tpu.memref_slice %arg5[%arg0, %multiple_of3A_57, %dma_wait3A_92] : memref<2x10000x128xf32, #tpu.memory_space<hbm>> -> memref<1x104x128xf32, #tpu.memory_space<hbm>>
      %dma_wait3A_94 = tpu.memref_squeeze %dma_wait3A_93 : memref<1x104x128xf32, #tpu.memory_space<hbm>> -> memref<104x128xf32, #tpu.memory_space<hbm>>
      %dma_wait3A_95 = arith.constant 0 : i32
      %dma_wait3A_96 = tpu.memref_slice %arg5[%arg0, %multiple_of3A_57, %dma_wait3A_95] : memref<2x10000x128xf32, #tpu.memory_space<hbm>> -> memref<1x104x128xf32, #tpu.memory_space<hbm>>
      %dma_wait3A_97 = tpu.memref_squeeze %dma_wait3A_96 : memref<1x104x128xf32, #tpu.memory_space<hbm>> -> memref<104x128xf32, #tpu.memory_space<hbm>>
      %dma_wait3A_98 = arith.constant 0 : i32
      %dma_wait3A_99 = arith.constant 0 : i32
      %dma_wait3A_100 = tpu.memref_slice %arg8[%dma_wait3A_98, %dma_wait3A_99] : memref<125x128xf32, #tpu.memory_space<vmem>> -> memref<104x128xf32, #tpu.memory_space<vmem>>
      tpu.wait_dma2 semaphore(%run_scoped3A_78 : memref<!tpu.dma_semaphore, #tpu.memory_space<semaphore_mem>>) src(%dma_wait3A_100 : memref<104x128xf32, #tpu.memory_space<vmem>>) dst(%dma_wait3A_97 : memref<104x128xf32, #tpu.memory_space<hbm>>)
      tpu.yield
    }) : () -> ()
    %mul3A_58 = arith.constant 624 : i32
    %mul3A_59 = arith.muli %arg1, %mul3A_58 : i32
    %add3A_60 = arith.constant 312 : i32
    %add3A_61 = arith.addi %mul3A_59, %add3A_60 : i32
    %multiple_of3A_62 = tpu.assume_multiple %add3A_61, 8 : i32
    "tpu.region"() ({
      %run_scoped3A_78 = tpu.sem_alloc : memref<!tpu.dma_semaphore, #tpu.memory_space<semaphore_mem>>
      %dma_start3A = arith.constant 0 : i32
      %dma_start3A_79 = arith.constant 0 : i32
      %dma_start3A_80 = tpu.memref_slice %arg8[%dma_start3A, %dma_start3A_79] : memref<125x128xf32, #tpu.memory_space<vmem>> -> memref<104x128xf32, #tpu.memory_space<vmem>>
      %dma_start3A_81 = arith.constant 0 : i32
      %dma_start3A_82 = tpu.memref_slice %arg9[%multiple_of3A_62, %dma_start3A_81] : memref<10000x128xf32, #tpu.memory_space<vmem_shared>> -> memref<104x128xf32, #tpu.memory_space<vmem_shared>>
      %dma_start3A_83 = arith.constant 0 : i32
      %dma_start3A_84 = arith.constant 0 : i32
      %dma_start3A_85 = tpu.memref_slice %arg8[%dma_start3A_83, %dma_start3A_84] : memref<125x128xf32, #tpu.memory_space<vmem>> -> memref<104x128xf32, #tpu.memory_space<vmem>>
      %dma_start3A_86 = arith.constant 0 : i32
      %dma_start3A_87 = tpu.memref_slice %arg9[%multiple_of3A_62, %dma_start3A_86] : memref<10000x128xf32, #tpu.memory_space<vmem_shared>> -> memref<104x128xf32, #tpu.memory_space<vmem_shared>>
      tpu.enqueue_dma source(%dma_start3A_87 : memref<104x128xf32, #tpu.memory_space<vmem_shared>>) target(%dma_start3A_85 : memref<104x128xf32, #tpu.memory_space<vmem>>) target_semaphore(%run_scoped3A_78 : memref<!tpu.dma_semaphore, #tpu.memory_space<semaphore_mem>>)
      %dma_wait3A = arith.constant 0 : i32
      %dma_wait3A_88 = arith.constant 0 : i32
      %dma_wait3A_89 = tpu.memref_slice %arg8[%dma_wait3A, %dma_wait3A_88] : memref<125x128xf32, #tpu.memory_space<vmem>> -> memref<104x128xf32, #tpu.memory_space<vmem>>
      %dma_wait3A_90 = arith.constant 0 : i32
      %dma_wait3A_91 = tpu.memref_slice %arg9[%multiple_of3A_62, %dma_wait3A_90] : memref<10000x128xf32, #tpu.memory_space<vmem_shared>> -> memref<104x128xf32, #tpu.memory_space<vmem_shared>>
      %dma_wait3A_92 = arith.constant 0 : i32
      %dma_wait3A_93 = arith.constant 0 : i32
      %dma_wait3A_94 = tpu.memref_slice %arg8[%dma_wait3A_92, %dma_wait3A_93] : memref<125x128xf32, #tpu.memory_space<vmem>> -> memref<104x128xf32, #tpu.memory_space<vmem>>
      %dma_wait3A_95 = arith.constant 0 : i32
      %dma_wait3A_96 = tpu.memref_slice %arg9[%multiple_of3A_62, %dma_wait3A_95] : memref<10000x128xf32, #tpu.memory_space<vmem_shared>> -> memref<104x128xf32, #tpu.memory_space<vmem_shared>>
      tpu.wait_dma2 semaphore(%run_scoped3A_78 : memref<!tpu.dma_semaphore, #tpu.memory_space<semaphore_mem>>) src(%dma_wait3A_96 : memref<104x128xf32, #tpu.memory_space<vmem_shared>>) dst(%dma_wait3A_94 : memref<104x128xf32, #tpu.memory_space<vmem>>)
      tpu.yield
    }) : () -> ()
    "tpu.region"() ({
      %run_scoped3A_78 = tpu.sem_alloc : memref<!tpu.dma_semaphore, #tpu.memory_space<semaphore_mem>>
      %dma_start3A = arith.constant 0 : i32
      %dma_start3A_79 = arith.constant 0 : i32
      %dma_start3A_80 = tpu.memref_slice %arg8[%dma_start3A, %dma_start3A_79] : memref<125x128xf32, #tpu.memory_space<vmem>> -> memref<104x128xf32, #tpu.memory_space<vmem>>
      %dma_start3A_81 = arith.constant 0 : i32
      %dma_start3A_82 = tpu.memref_slice %arg5[%arg0, %multiple_of3A_62, %dma_start3A_81] : memref<2x10000x128xf32, #tpu.memory_space<hbm>> -> memref<1x104x128xf32, #tpu.memory_space<hbm>>
      %dma_start3A_83 = tpu.memref_squeeze %dma_start3A_82 : memref<1x104x128xf32, #tpu.memory_space<hbm>> -> memref<104x128xf32, #tpu.memory_space<hbm>>
      %dma_start3A_84 = arith.constant 0 : i32
      %dma_start3A_85 = tpu.memref_slice %arg5[%arg0, %multiple_of3A_62, %dma_start3A_84] : memref<2x10000x128xf32, #tpu.memory_space<hbm>> -> memref<1x104x128xf32, #tpu.memory_space<hbm>>
      %dma_start3A_86 = tpu.memref_squeeze %dma_start3A_85 : memref<1x104x128xf32, #tpu.memory_space<hbm>> -> memref<104x128xf32, #tpu.memory_space<hbm>>
      %dma_start3A_87 = arith.constant 0 : i32
      %dma_start3A_88 = arith.constant 0 : i32
      %dma_start3A_89 = tpu.memref_slice %arg8[%dma_start3A_87, %dma_start3A_88] : memref<125x128xf32, #tpu.memory_space<vmem>> -> memref<104x128xf32, #tpu.memory_space<vmem>>
      tpu.enqueue_dma source(%dma_start3A_89 : memref<104x128xf32, #tpu.memory_space<vmem>>) target(%dma_start3A_86 : memref<104x128xf32, #tpu.memory_space<hbm>>) target_semaphore(%run_scoped3A_78 : memref<!tpu.dma_semaphore, #tpu.memory_space<semaphore_mem>>)
      %dma_wait3A = arith.constant 0 : i32
      %dma_wait3A_90 = arith.constant 0 : i32
      %dma_wait3A_91 = tpu.memref_slice %arg8[%dma_wait3A, %dma_wait3A_90] : memref<125x128xf32, #tpu.memory_space<vmem>> -> memref<104x128xf32, #tpu.memory_space<vmem>>
      %dma_wait3A_92 = arith.constant 0 : i32
      %dma_wait3A_93 = tpu.memref_slice %arg5[%arg0, %multiple_of3A_62, %dma_wait3A_92] : memref<2x10000x128xf32, #tpu.memory_space<hbm>> -> memref<1x104x128xf32, #tpu.memory_space<hbm>>
      %dma_wait3A_94 = tpu.memref_squeeze %dma_wait3A_93 : memref<1x104x128xf32, #tpu.memory_space<hbm>> -> memref<104x128xf32, #tpu.memory_space<hbm>>
      %dma_wait3A_95 = arith.constant 0 : i32
      %dma_wait3A_96 = tpu.memref_slice %arg5[%arg0, %multiple_of3A_62, %dma_wait3A_95] : memref<2x10000x128xf32, #tpu.memory_space<hbm>> -> memref<1x104x128xf32, #tpu.memory_space<hbm>>
      %dma_wait3A_97 = tpu.memref_squeeze %dma_wait3A_96 : memref<1x104x128xf32, #tpu.memory_space<hbm>> -> memref<104x128xf32, #tpu.memory_space<hbm>>
      %dma_wait3A_98 = arith.constant 0 : i32
      %dma_wait3A_99 = arith.constant 0 : i32
      %dma_wait3A_100 = tpu.memref_slice %arg8[%dma_wait3A_98, %dma_wait3A_99] : memref<125x128xf32, #tpu.memory_space<vmem>> -> memref<104x128xf32, #tpu.memory_space<vmem>>
      tpu.wait_dma2 semaphore(%run_scoped3A_78 : memref<!tpu.dma_semaphore, #tpu.memory_space<semaphore_mem>>) src(%dma_wait3A_100 : memref<104x128xf32, #tpu.memory_space<vmem>>) dst(%dma_wait3A_97 : memref<104x128xf32, #tpu.memory_space<hbm>>)
      tpu.yield
    }) : () -> ()
    %mul3A_63 = arith.constant 624 : i32
    %mul3A_64 = arith.muli %arg1, %mul3A_63 : i32
    %add3A_65 = arith.constant 416 : i32
    %add3A_66 = arith.addi %mul3A_64, %add3A_65 : i32
    %multiple_of3A_67 = tpu.assume_multiple %add3A_66, 8 : i32
    "tpu.region"() ({
      %run_scoped3A_78 = tpu.sem_alloc : memref<!tpu.dma_semaphore, #tpu.memory_space<semaphore_mem>>
      %dma_start3A = arith.constant 0 : i32
      %dma_start3A_79 = arith.constant 0 : i32
      %dma_start3A_80 = tpu.memref_slice %arg8[%dma_start3A, %dma_start3A_79] : memref<125x128xf32, #tpu.memory_space<vmem>> -> memref<104x128xf32, #tpu.memory_space<vmem>>
      %dma_start3A_81 = arith.constant 0 : i32
      %dma_start3A_82 = tpu.memref_slice %arg9[%multiple_of3A_67, %dma_start3A_81] : memref<10000x128xf32, #tpu.memory_space<vmem_shared>> -> memref<104x128xf32, #tpu.memory_space<vmem_shared>>
      %dma_start3A_83 = arith.constant 0 : i32
      %dma_start3A_84 = arith.constant 0 : i32
      %dma_start3A_85 = tpu.memref_slice %arg8[%dma_start3A_83, %dma_start3A_84] : memref<125x128xf32, #tpu.memory_space<vmem>> -> memref<104x128xf32, #tpu.memory_space<vmem>>
      %dma_start3A_86 = arith.constant 0 : i32
      %dma_start3A_87 = tpu.memref_slice %arg9[%multiple_of3A_67, %dma_start3A_86] : memref<10000x128xf32, #tpu.memory_space<vmem_shared>> -> memref<104x128xf32, #tpu.memory_space<vmem_shared>>
      tpu.enqueue_dma source(%dma_start3A_87 : memref<104x128xf32, #tpu.memory_space<vmem_shared>>) target(%dma_start3A_85 : memref<104x128xf32, #tpu.memory_space<vmem>>) target_semaphore(%run_scoped3A_78 : memref<!tpu.dma_semaphore, #tpu.memory_space<semaphore_mem>>)
      %dma_wait3A = arith.constant 0 : i32
      %dma_wait3A_88 = arith.constant 0 : i32
      %dma_wait3A_89 = tpu.memref_slice %arg8[%dma_wait3A, %dma_wait3A_88] : memref<125x128xf32, #tpu.memory_space<vmem>> -> memref<104x128xf32, #tpu.memory_space<vmem>>
      %dma_wait3A_90 = arith.constant 0 : i32
      %dma_wait3A_91 = tpu.memref_slice %arg9[%multiple_of3A_67, %dma_wait3A_90] : memref<10000x128xf32, #tpu.memory_space<vmem_shared>> -> memref<104x128xf32, #tpu.memory_space<vmem_shared>>
      %dma_wait3A_92 = arith.constant 0 : i32
      %dma_wait3A_93 = arith.constant 0 : i32
      %dma_wait3A_94 = tpu.memref_slice %arg8[%dma_wait3A_92, %dma_wait3A_93] : memref<125x128xf32, #tpu.memory_space<vmem>> -> memref<104x128xf32, #tpu.memory_space<vmem>>
      %dma_wait3A_95 = arith.constant 0 : i32
      %dma_wait3A_96 = tpu.memref_slice %arg9[%multiple_of3A_67, %dma_wait3A_95] : memref<10000x128xf32, #tpu.memory_space<vmem_shared>> -> memref<104x128xf32, #tpu.memory_space<vmem_shared>>
      tpu.wait_dma2 semaphore(%run_scoped3A_78 : memref<!tpu.dma_semaphore, #tpu.memory_space<semaphore_mem>>) src(%dma_wait3A_96 : memref<104x128xf32, #tpu.memory_space<vmem_shared>>) dst(%dma_wait3A_94 : memref<104x128xf32, #tpu.memory_space<vmem>>)
      tpu.yield
    }) : () -> ()
    "tpu.region"() ({
      %run_scoped3A_78 = tpu.sem_alloc : memref<!tpu.dma_semaphore, #tpu.memory_space<semaphore_mem>>
      %dma_start3A = arith.constant 0 : i32
      %dma_start3A_79 = arith.constant 0 : i32
      %dma_start3A_80 = tpu.memref_slice %arg8[%dma_start3A, %dma_start3A_79] : memref<125x128xf32, #tpu.memory_space<vmem>> -> memref<104x128xf32, #tpu.memory_space<vmem>>
      %dma_start3A_81 = arith.constant 0 : i32
      %dma_start3A_82 = tpu.memref_slice %arg5[%arg0, %multiple_of3A_67, %dma_start3A_81] : memref<2x10000x128xf32, #tpu.memory_space<hbm>> -> memref<1x104x128xf32, #tpu.memory_space<hbm>>
      %dma_start3A_83 = tpu.memref_squeeze %dma_start3A_82 : memref<1x104x128xf32, #tpu.memory_space<hbm>> -> memref<104x128xf32, #tpu.memory_space<hbm>>
      %dma_start3A_84 = arith.constant 0 : i32
      %dma_start3A_85 = tpu.memref_slice %arg5[%arg0, %multiple_of3A_67, %dma_start3A_84] : memref<2x10000x128xf32, #tpu.memory_space<hbm>> -> memref<1x104x128xf32, #tpu.memory_space<hbm>>
      %dma_start3A_86 = tpu.memref_squeeze %dma_start3A_85 : memref<1x104x128xf32, #tpu.memory_space<hbm>> -> memref<104x128xf32, #tpu.memory_space<hbm>>
      %dma_start3A_87 = arith.constant 0 : i32
      %dma_start3A_88 = arith.constant 0 : i32
      %dma_start3A_89 = tpu.memref_slice %arg8[%dma_start3A_87, %dma_start3A_88] : memref<125x128xf32, #tpu.memory_space<vmem>> -> memref<104x128xf32, #tpu.memory_space<vmem>>
      tpu.enqueue_dma source(%dma_start3A_89 : memref<104x128xf32, #tpu.memory_space<vmem>>) target(%dma_start3A_86 : memref<104x128xf32, #tpu.memory_space<hbm>>) target_semaphore(%run_scoped3A_78 : memref<!tpu.dma_semaphore, #tpu.memory_space<semaphore_mem>>)
      %dma_wait3A = arith.constant 0 : i32
      %dma_wait3A_90 = arith.constant 0 : i32
      %dma_wait3A_91 = tpu.memref_slice %arg8[%dma_wait3A, %dma_wait3A_90] : memref<125x128xf32, #tpu.memory_space<vmem>> -> memref<104x128xf32, #tpu.memory_space<vmem>>
      %dma_wait3A_92 = arith.constant 0 : i32
      %dma_wait3A_93 = tpu.memref_slice %arg5[%arg0, %multiple_of3A_67, %dma_wait3A_92] : memref<2x10000x128xf32, #tpu.memory_space<hbm>> -> memref<1x104x128xf32, #tpu.memory_space<hbm>>
      %dma_wait3A_94 = tpu.memref_squeeze %dma_wait3A_93 : memref<1x104x128xf32, #tpu.memory_space<hbm>> -> memref<104x128xf32, #tpu.memory_space<hbm>>
      %dma_wait3A_95 = arith.constant 0 : i32
      %dma_wait3A_96 = tpu.memref_slice %arg5[%arg0, %multiple_of3A_67, %dma_wait3A_95] : memref<2x10000x128xf32, #tpu.memory_space<hbm>> -> memref<1x104x128xf32, #tpu.memory_space<hbm>>
      %dma_wait3A_97 = tpu.memref_squeeze %dma_wait3A_96 : memref<1x104x128xf32, #tpu.memory_space<hbm>> -> memref<104x128xf32, #tpu.memory_space<hbm>>
      %dma_wait3A_98 = arith.constant 0 : i32
      %dma_wait3A_99 = arith.constant 0 : i32
      %dma_wait3A_100 = tpu.memref_slice %arg8[%dma_wait3A_98, %dma_wait3A_99] : memref<125x128xf32, #tpu.memory_space<vmem>> -> memref<104x128xf32, #tpu.memory_space<vmem>>
      tpu.wait_dma2 semaphore(%run_scoped3A_78 : memref<!tpu.dma_semaphore, #tpu.memory_space<semaphore_mem>>) src(%dma_wait3A_100 : memref<104x128xf32, #tpu.memory_space<vmem>>) dst(%dma_wait3A_97 : memref<104x128xf32, #tpu.memory_space<hbm>>)
      tpu.yield
    }) : () -> ()
    %mul3A_68 = arith.constant 624 : i32
    %mul3A_69 = arith.muli %arg1, %mul3A_68 : i32
    %add3A_70 = arith.constant 520 : i32
    %add3A_71 = arith.addi %mul3A_69, %add3A_70 : i32
    %multiple_of3A_72 = tpu.assume_multiple %add3A_71, 8 : i32
    "tpu.region"() ({
      %run_scoped3A_78 = tpu.sem_alloc : memref<!tpu.dma_semaphore, #tpu.memory_space<semaphore_mem>>
      %dma_start3A = arith.constant 0 : i32
      %dma_start3A_79 = arith.constant 0 : i32
      %dma_start3A_80 = tpu.memref_slice %arg8[%dma_start3A, %dma_start3A_79] : memref<125x128xf32, #tpu.memory_space<vmem>> -> memref<104x128xf32, #tpu.memory_space<vmem>>
      %dma_start3A_81 = arith.constant 0 : i32
      %dma_start3A_82 = tpu.memref_slice %arg9[%multiple_of3A_72, %dma_start3A_81] : memref<10000x128xf32, #tpu.memory_space<vmem_shared>> -> memref<104x128xf32, #tpu.memory_space<vmem_shared>>
      %dma_start3A_83 = arith.constant 0 : i32
      %dma_start3A_84 = arith.constant 0 : i32
      %dma_start3A_85 = tpu.memref_slice %arg8[%dma_start3A_83, %dma_start3A_84] : memref<125x128xf32, #tpu.memory_space<vmem>> -> memref<104x128xf32, #tpu.memory_space<vmem>>
      %dma_start3A_86 = arith.constant 0 : i32
      %dma_start3A_87 = tpu.memref_slice %arg9[%multiple_of3A_72, %dma_start3A_86] : memref<10000x128xf32, #tpu.memory_space<vmem_shared>> -> memref<104x128xf32, #tpu.memory_space<vmem_shared>>
      tpu.enqueue_dma source(%dma_start3A_87 : memref<104x128xf32, #tpu.memory_space<vmem_shared>>) target(%dma_start3A_85 : memref<104x128xf32, #tpu.memory_space<vmem>>) target_semaphore(%run_scoped3A_78 : memref<!tpu.dma_semaphore, #tpu.memory_space<semaphore_mem>>)
      %dma_wait3A = arith.constant 0 : i32
      %dma_wait3A_88 = arith.constant 0 : i32
      %dma_wait3A_89 = tpu.memref_slice %arg8[%dma_wait3A, %dma_wait3A_88] : memref<125x128xf32, #tpu.memory_space<vmem>> -> memref<104x128xf32, #tpu.memory_space<vmem>>
      %dma_wait3A_90 = arith.constant 0 : i32
      %dma_wait3A_91 = tpu.memref_slice %arg9[%multiple_of3A_72, %dma_wait3A_90] : memref<10000x128xf32, #tpu.memory_space<vmem_shared>> -> memref<104x128xf32, #tpu.memory_space<vmem_shared>>
      %dma_wait3A_92 = arith.constant 0 : i32
      %dma_wait3A_93 = arith.constant 0 : i32
      %dma_wait3A_94 = tpu.memref_slice %arg8[%dma_wait3A_92, %dma_wait3A_93] : memref<125x128xf32, #tpu.memory_space<vmem>> -> memref<104x128xf32, #tpu.memory_space<vmem>>
      %dma_wait3A_95 = arith.constant 0 : i32
      %dma_wait3A_96 = tpu.memref_slice %arg9[%multiple_of3A_72, %dma_wait3A_95] : memref<10000x128xf32, #tpu.memory_space<vmem_shared>> -> memref<104x128xf32, #tpu.memory_space<vmem_shared>>
      tpu.wait_dma2 semaphore(%run_scoped3A_78 : memref<!tpu.dma_semaphore, #tpu.memory_space<semaphore_mem>>) src(%dma_wait3A_96 : memref<104x128xf32, #tpu.memory_space<vmem_shared>>) dst(%dma_wait3A_94 : memref<104x128xf32, #tpu.memory_space<vmem>>)
      tpu.yield
    }) : () -> ()
    "tpu.region"() ({
      %run_scoped3A_78 = tpu.sem_alloc : memref<!tpu.dma_semaphore, #tpu.memory_space<semaphore_mem>>
      %dma_start3A = arith.constant 0 : i32
      %dma_start3A_79 = arith.constant 0 : i32
      %dma_start3A_80 = tpu.memref_slice %arg8[%dma_start3A, %dma_start3A_79] : memref<125x128xf32, #tpu.memory_space<vmem>> -> memref<104x128xf32, #tpu.memory_space<vmem>>
      %dma_start3A_81 = arith.constant 0 : i32
      %dma_start3A_82 = tpu.memref_slice %arg5[%arg0, %multiple_of3A_72, %dma_start3A_81] : memref<2x10000x128xf32, #tpu.memory_space<hbm>> -> memref<1x104x128xf32, #tpu.memory_space<hbm>>
      %dma_start3A_83 = tpu.memref_squeeze %dma_start3A_82 : memref<1x104x128xf32, #tpu.memory_space<hbm>> -> memref<104x128xf32, #tpu.memory_space<hbm>>
      %dma_start3A_84 = arith.constant 0 : i32
      %dma_start3A_85 = tpu.memref_slice %arg5[%arg0, %multiple_of3A_72, %dma_start3A_84] : memref<2x10000x128xf32, #tpu.memory_space<hbm>> -> memref<1x104x128xf32, #tpu.memory_space<hbm>>
      %dma_start3A_86 = tpu.memref_squeeze %dma_start3A_85 : memref<1x104x128xf32, #tpu.memory_space<hbm>> -> memref<104x128xf32, #tpu.memory_space<hbm>>
      %dma_start3A_87 = arith.constant 0 : i32
      %dma_start3A_88 = arith.constant 0 : i32
      %dma_start3A_89 = tpu.memref_slice %arg8[%dma_start3A_87, %dma_start3A_88] : memref<125x128xf32, #tpu.memory_space<vmem>> -> memref<104x128xf32, #tpu.memory_space<vmem>>
      tpu.enqueue_dma source(%dma_start3A_89 : memref<104x128xf32, #tpu.memory_space<vmem>>) target(%dma_start3A_86 : memref<104x128xf32, #tpu.memory_space<hbm>>) target_semaphore(%run_scoped3A_78 : memref<!tpu.dma_semaphore, #tpu.memory_space<semaphore_mem>>)
      %dma_wait3A = arith.constant 0 : i32
      %dma_wait3A_90 = arith.constant 0 : i32
      %dma_wait3A_91 = tpu.memref_slice %arg8[%dma_wait3A, %dma_wait3A_90] : memref<125x128xf32, #tpu.memory_space<vmem>> -> memref<104x128xf32, #tpu.memory_space<vmem>>
      %dma_wait3A_92 = arith.constant 0 : i32
      %dma_wait3A_93 = tpu.memref_slice %arg5[%arg0, %multiple_of3A_72, %dma_wait3A_92] : memref<2x10000x128xf32, #tpu.memory_space<hbm>> -> memref<1x104x128xf32, #tpu.memory_space<hbm>>
      %dma_wait3A_94 = tpu.memref_squeeze %dma_wait3A_93 : memref<1x104x128xf32, #tpu.memory_space<hbm>> -> memref<104x128xf32, #tpu.memory_space<hbm>>
      %dma_wait3A_95 = arith.constant 0 : i32
      %dma_wait3A_96 = tpu.memref_slice %arg5[%arg0, %multiple_of3A_72, %dma_wait3A_95] : memref<2x10000x128xf32, #tpu.memory_space<hbm>> -> memref<1x104x128xf32, #tpu.memory_space<hbm>>
      %dma_wait3A_97 = tpu.memref_squeeze %dma_wait3A_96 : memref<1x104x128xf32, #tpu.memory_space<hbm>> -> memref<104x128xf32, #tpu.memory_space<hbm>>
      %dma_wait3A_98 = arith.constant 0 : i32
      %dma_wait3A_99 = arith.constant 0 : i32
      %dma_wait3A_100 = tpu.memref_slice %arg8[%dma_wait3A_98, %dma_wait3A_99] : memref<125x128xf32, #tpu.memory_space<vmem>> -> memref<104x128xf32, #tpu.memory_space<vmem>>
      tpu.wait_dma2 semaphore(%run_scoped3A_78 : memref<!tpu.dma_semaphore, #tpu.memory_space<semaphore_mem>>) src(%dma_wait3A_100 : memref<104x128xf32, #tpu.memory_space<vmem>>) dst(%dma_wait3A_97 : memref<104x128xf32, #tpu.memory_space<hbm>>)
      tpu.yield
    }) : () -> ()
    %eq3A_73 = arith.constant 15 : i32
    %eq3A_74 = arith.cmpi eq, %arg1, %eq3A_73 : i32
    %convert_element_type3A_75 = arith.extui %eq3A_74 : i1 to i32
    %cond3A_76 = arith.constant 0 : i32
    %cond3A_77 = arith.cmpi ne, %convert_element_type3A_75, %cond3A_76 : i32
    scf.if %cond3A_77 {
      "tpu.region"() ({
        %run_scoped3A_78 = tpu.sem_alloc : memref<!tpu.dma_semaphore, #tpu.memory_space<semaphore_mem>>
        %dma_start3A = arith.constant 0 : i32
        %dma_start3A_79 = arith.constant 0 : i32
        %dma_start3A_80 = tpu.memref_slice %arg8[%dma_start3A, %dma_start3A_79] : memref<125x128xf32, #tpu.memory_space<vmem>> -> memref<16x128xf32, #tpu.memory_space<vmem>>
        %dma_start3A_81 = arith.constant 9984 : i32
        %dma_start3A_82 = arith.constant 0 : i32
        %dma_start3A_83 = tpu.memref_slice %arg9[%dma_start3A_81, %dma_start3A_82] : memref<10000x128xf32, #tpu.memory_space<vmem_shared>> -> memref<16x128xf32, #tpu.memory_space<vmem_shared>>
        %dma_start3A_84 = arith.constant 0 : i32
        %dma_start3A_85 = arith.constant 0 : i32
        %dma_start3A_86 = tpu.memref_slice %arg8[%dma_start3A_84, %dma_start3A_85] : memref<125x128xf32, #tpu.memory_space<vmem>> -> memref<16x128xf32, #tpu.memory_space<vmem>>
        %dma_start3A_87 = arith.constant 9984 : i32
        %dma_start3A_88 = arith.constant 0 : i32
        %dma_start3A_89 = tpu.memref_slice %arg9[%dma_start3A_87, %dma_start3A_88] : memref<10000x128xf32, #tpu.memory_space<vmem_shared>> -> memref<16x128xf32, #tpu.memory_space<vmem_shared>>
        tpu.enqueue_dma source(%dma_start3A_89 : memref<16x128xf32, #tpu.memory_space<vmem_shared>>) target(%dma_start3A_86 : memref<16x128xf32, #tpu.memory_space<vmem>>) target_semaphore(%run_scoped3A_78 : memref<!tpu.dma_semaphore, #tpu.memory_space<semaphore_mem>>)
        %dma_wait3A = arith.constant 0 : i32
        %dma_wait3A_90 = arith.constant 0 : i32
        %dma_wait3A_91 = tpu.memref_slice %arg8[%dma_wait3A, %dma_wait3A_90] : memref<125x128xf32, #tpu.memory_space<vmem>> -> memref<16x128xf32, #tpu.memory_space<vmem>>
        %dma_wait3A_92 = arith.constant 9984 : i32
        %dma_wait3A_93 = arith.constant 0 : i32
        %dma_wait3A_94 = tpu.memref_slice %arg9[%dma_wait3A_92, %dma_wait3A_93] : memref<10000x128xf32, #tpu.memory_space<vmem_shared>> -> memref<16x128xf32, #tpu.memory_space<vmem_shared>>
        %dma_wait3A_95 = arith.constant 0 : i32
        %dma_wait3A_96 = arith.constant 0 : i32
        %dma_wait3A_97 = tpu.memref_slice %arg8[%dma_wait3A_95, %dma_wait3A_96] : memref<125x128xf32, #tpu.memory_space<vmem>> -> memref<16x128xf32, #tpu.memory_space<vmem>>
        %dma_wait3A_98 = arith.constant 9984 : i32
        %dma_wait3A_99 = arith.constant 0 : i32
        %dma_wait3A_100 = tpu.memref_slice %arg9[%dma_wait3A_98, %dma_wait3A_99] : memref<10000x128xf32, #tpu.memory_space<vmem_shared>> -> memref<16x128xf32, #tpu.memory_space<vmem_shared>>
        tpu.wait_dma2 semaphore(%run_scoped3A_78 : memref<!tpu.dma_semaphore, #tpu.memory_space<semaphore_mem>>) src(%dma_wait3A_100 : memref<16x128xf32, #tpu.memory_space<vmem_shared>>) dst(%dma_wait3A_97 : memref<16x128xf32, #tpu.memory_space<vmem>>)
        tpu.yield
      }) : () -> ()
      "tpu.region"() ({
        %run_scoped3A_78 = tpu.sem_alloc : memref<!tpu.dma_semaphore, #tpu.memory_space<semaphore_mem>>
        %dma_start3A = arith.constant 0 : i32
        %dma_start3A_79 = arith.constant 0 : i32
        %dma_start3A_80 = tpu.memref_slice %arg8[%dma_start3A, %dma_start3A_79] : memref<125x128xf32, #tpu.memory_space<vmem>> -> memref<16x128xf32, #tpu.memory_space<vmem>>
        %dma_start3A_81 = arith.constant 9984 : i32
        %dma_start3A_82 = arith.constant 0 : i32
        %dma_start3A_83 = tpu.memref_slice %arg5[%arg0, %dma_start3A_81, %dma_start3A_82] : memref<2x10000x128xf32, #tpu.memory_space<hbm>> -> memref<1x16x128xf32, #tpu.memory_space<hbm>>
        %dma_start3A_84 = tpu.memref_squeeze %dma_start3A_83 : memref<1x16x128xf32, #tpu.memory_space<hbm>> -> memref<16x128xf32, #tpu.memory_space<hbm>>
        %dma_start3A_85 = arith.constant 9984 : i32
        %dma_start3A_86 = arith.constant 0 : i32
        %dma_start3A_87 = tpu.memref_slice %arg5[%arg0, %dma_start3A_85, %dma_start3A_86] : memref<2x10000x128xf32, #tpu.memory_space<hbm>> -> memref<1x16x128xf32, #tpu.memory_space<hbm>>
        %dma_start3A_88 = tpu.memref_squeeze %dma_start3A_87 : memref<1x16x128xf32, #tpu.memory_space<hbm>> -> memref<16x128xf32, #tpu.memory_space<hbm>>
        %dma_start3A_89 = arith.constant 0 : i32
        %dma_start3A_90 = arith.constant 0 : i32
        %dma_start3A_91 = tpu.memref_slice %arg8[%dma_start3A_89, %dma_start3A_90] : memref<125x128xf32, #tpu.memory_space<vmem>> -> memref<16x128xf32, #tpu.memory_space<vmem>>
        tpu.enqueue_dma source(%dma_start3A_91 : memref<16x128xf32, #tpu.memory_space<vmem>>) target(%dma_start3A_88 : memref<16x128xf32, #tpu.memory_space<hbm>>) target_semaphore(%run_scoped3A_78 : memref<!tpu.dma_semaphore, #tpu.memory_space<semaphore_mem>>)
        %dma_wait3A = arith.constant 0 : i32
        %dma_wait3A_92 = arith.constant 0 : i32
        %dma_wait3A_93 = tpu.memref_slice %arg8[%dma_wait3A, %dma_wait3A_92] : memref<125x128xf32, #tpu.memory_space<vmem>> -> memref<16x128xf32, #tpu.memory_space<vmem>>
        %dma_wait3A_94 = arith.constant 9984 : i32
        %dma_wait3A_95 = arith.constant 0 : i32
        %dma_wait3A_96 = tpu.memref_slice %arg5[%arg0, %dma_wait3A_94, %dma_wait3A_95] : memref<2x10000x128xf32, #tpu.memory_space<hbm>> -> memref<1x16x128xf32, #tpu.memory_space<hbm>>
        %dma_wait3A_97 = tpu.memref_squeeze %dma_wait3A_96 : memref<1x16x128xf32, #tpu.memory_space<hbm>> -> memref<16x128xf32, #tpu.memory_space<hbm>>
        %dma_wait3A_98 = arith.constant 9984 : i32
        %dma_wait3A_99 = arith.constant 0 : i32
        %dma_wait3A_100 = tpu.memref_slice %arg5[%arg0, %dma_wait3A_98, %dma_wait3A_99] : memref<2x10000x128xf32, #tpu.memory_space<hbm>> -> memref<1x16x128xf32, #tpu.memory_space<hbm>>
        %dma_wait3A_101 = tpu.memref_squeeze %dma_wait3A_100 : memref<1x16x128xf32, #tpu.memory_space<hbm>> -> memref<16x128xf32, #tpu.memory_space<hbm>>
        %dma_wait3A_102 = arith.constant 0 : i32
        %dma_wait3A_103 = arith.constant 0 : i32
        %dma_wait3A_104 = tpu.memref_slice %arg8[%dma_wait3A_102, %dma_wait3A_103] : memref<125x128xf32, #tpu.memory_space<vmem>> -> memref<16x128xf32, #tpu.memory_space<vmem>>
        tpu.wait_dma2 semaphore(%run_scoped3A_78 : memref<!tpu.dma_semaphore, #tpu.memory_space<semaphore_mem>>) src(%dma_wait3A_104 : memref<16x128xf32, #tpu.memory_space<vmem>>) dst(%dma_wait3A_101 : memref<16x128xf32, #tpu.memory_space<hbm>>)
        tpu.yield
      }) : () -> ()
    } else {
    }
    return
  }
}

#map = affine_map<(d0, d1) -> (0)>
#map1 = affine_map<(d0, d1) -> (0, 0, 0)>
module attributes {stable_mosaic.version = 14 : i64} {
  func.func @_hist(%arg0: i32, %arg1: i32, %arg2: memref<320000xi32, #tpu.memory_space<hbm>>, %arg3: memref<32x625x16xf32, #tpu.memory_space<hbm>>, %arg4: memref<10000xi32, #tpu.memory_space<vmem>>, %arg5: memref<625x16xf32, #tpu.memory_space<vmem>>) attributes {dimension_semantics = [#tpu.dimension_semantics<core_parallel>, #tpu.dimension_semantics<subcore_parallel>], iteration_bounds = array<i64: 2, 16>, scalar_prefetch = 0 : i64, scratch_operands = 2 : i64, tpu.core_type = #tpu.core_type<sc_vector_subcore>, window_params = [{transform_indices = #map}, {transform_indices = #map1}]} {
    %mul3A = arith.constant 2 : i32
    %mul3A_0 = arith.muli %arg1, %mul3A : i32
    %add3A = arith.addi %mul3A_0, %arg0 : i32
    %mul3A_1 = arith.constant 10000 : i32
    %mul3A_2 = arith.muli %add3A, %mul3A_1 : i32
    %multiple_of3A = tpu.assume_multiple %mul3A_2, 8 : i32
    "tpu.region"() ({
      %run_scoped3A = tpu.sem_alloc : memref<!tpu.dma_semaphore, #tpu.memory_space<semaphore_mem>>
      %dma_start3A = tpu.memref_slice %arg2[%multiple_of3A] : memref<320000xi32, #tpu.memory_space<hbm>> -> memref<10000xi32, #tpu.memory_space<hbm>>
      %dma_start3A_19 = tpu.memref_slice %arg2[%multiple_of3A] : memref<320000xi32, #tpu.memory_space<hbm>> -> memref<10000xi32, #tpu.memory_space<hbm>>
      tpu.enqueue_dma source(%dma_start3A_19 : memref<10000xi32, #tpu.memory_space<hbm>>) target(%arg4 : memref<10000xi32, #tpu.memory_space<vmem>>) target_semaphore(%run_scoped3A : memref<!tpu.dma_semaphore, #tpu.memory_space<semaphore_mem>>)
      %dma_wait3A = tpu.memref_slice %arg2[%multiple_of3A] : memref<320000xi32, #tpu.memory_space<hbm>> -> memref<10000xi32, #tpu.memory_space<hbm>>
      %dma_wait3A_20 = tpu.memref_slice %arg2[%multiple_of3A] : memref<320000xi32, #tpu.memory_space<hbm>> -> memref<10000xi32, #tpu.memory_space<hbm>>
      tpu.wait_dma2 semaphore(%run_scoped3A : memref<!tpu.dma_semaphore, #tpu.memory_space<semaphore_mem>>) src(%dma_wait3A_20 : memref<10000xi32, #tpu.memory_space<hbm>>) dst(%arg4 : memref<10000xi32, #tpu.memory_space<vmem>>)
      tpu.yield
    }) : () -> ()
    %broadcast_in_dim3A = arith.constant 0.000000e+00 : f32
    %broadcast_in_dim3A_3 = vector.broadcast %broadcast_in_dim3A : f32 to vector<16xf32>
    %scan3A = arith.constant 0 : i32
    %scan3A_4 = arith.constant 0 : i32
    %scan3A_5 = arith.constant 625 : i32
    %scan3A_6 = arith.addi %scan3A_4, %scan3A_5 : i32
    %scan3A_7 = arith.constant 1 : i32
    %scan3A_8 = scf.for %scan3A_19 = %scan3A_4 to %scan3A_6 step %scan3A_7 iter_args(%scan3A_20 = %scan3A) -> (i32)  : i32 {
      %swap3A = arith.index_cast %scan3A_19 : i32 to index
      %swap3A_21 = arith.constant 0 : index
      %swap3A_22 = tpu.vector_load %arg5[%swap3A, %swap3A_21] {strides = array<i32>} : memref<625x16xf32, #tpu.memory_space<vmem>>, vector<16xf32>,
      tpu.vector_store %arg5[%swap3A, %swap3A_21], %broadcast_in_dim3A_3 {strides = array<i32>} : memref<625x16xf32, #tpu.memory_space<vmem>>, vector<16xf32>,
      %scan3A_23 = arith.constant 0 : i32
      scf.yield %scan3A_23 : i32
    }
    %scan3A_9 = arith.constant 625 : i32
    %broadcast_in_dim3A_10 = arith.constant 1.000000e+00 : f32
    %broadcast_in_dim3A_11 = vector.broadcast %broadcast_in_dim3A_10 : f32 to vector<16xf32>
    %scan3A_12 = arith.constant 0 : i32
    %scan3A_13 = arith.constant 0 : i32
    %scan3A_14 = arith.constant 625 : i32
    %scan3A_15 = arith.addi %scan3A_13, %scan3A_14 : i32
    %scan3A_16 = arith.constant 1 : i32
    %scan3A_17 = scf.for %scan3A_19 = %scan3A_13 to %scan3A_15 step %scan3A_16 iter_args(%scan3A_20 = %scan3A_12) -> (i32)  : i32 {
      %mul3A_21 = arith.constant 16 : i32
      %mul3A_22 = arith.muli %scan3A_19, %mul3A_21 : i32
      %get3A = arith.index_cast %mul3A_22 : i32 to index
      %get3A_23 = tpu.vector_load %arg4[%get3A] {strides = array<i32>} : memref<10000xi32, #tpu.memory_space<vmem>>, vector<16xi32>,
      %shift_right_logical3A = arith.constant 4 : i32
      %shift_right_logical3A_24 = vector.broadcast %shift_right_logical3A : i32 to vector<16xi32>
      %shift_right_logical3A_25 = arith.shrui %get3A_23, %shift_right_logical3A_24 : vector<16xi32>
      %and3A = arith.constant 15 : i32
      %and3A_26 = vector.broadcast %and3A : i32 to vector<16xi32>
      %and3A_27 = arith.andi %get3A_23, %and3A_26 : vector<16xi32>
      tpu.vector_store_idx %arg5[%shift_right_logical3A_25, %and3A_27], %broadcast_in_dim3A_11 {add = true} : memref<625x16xf32, #tpu.memory_space<vmem>>[vector<16xi32>, vector<16xi32>], vector<16xf32>,
      %scan3A_28 = arith.constant 0 : i32
      scf.yield %scan3A_28 : i32
    }
    %scan3A_18 = arith.constant 625 : i32
    "tpu.region"() ({
      %run_scoped3A = tpu.sem_alloc : memref<!tpu.dma_semaphore, #tpu.memory_space<semaphore_mem>>
      %dma_start3A = arith.constant 0 : i32
      %dma_start3A_19 = arith.constant 0 : i32
      %dma_start3A_20 = tpu.memref_slice %arg3[%add3A, %dma_start3A, %dma_start3A_19] : memref<32x625x16xf32, #tpu.memory_space<hbm>> -> memref<1x625x16xf32, #tpu.memory_space<hbm>>
      %dma_start3A_21 = tpu.memref_squeeze %dma_start3A_20 : memref<1x625x16xf32, #tpu.memory_space<hbm>> -> memref<625x16xf32, #tpu.memory_space<hbm>>
      %dma_start3A_22 = arith.constant 0 : i32
      %dma_start3A_23 = arith.constant 0 : i32
      %dma_start3A_24 = tpu.memref_slice %arg3[%add3A, %dma_start3A_22, %dma_start3A_23] : memref<32x625x16xf32, #tpu.memory_space<hbm>> -> memref<1x625x16xf32, #tpu.memory_space<hbm>>
      %dma_start3A_25 = tpu.memref_squeeze %dma_start3A_24 : memref<1x625x16xf32, #tpu.memory_space<hbm>> -> memref<625x16xf32, #tpu.memory_space<hbm>>
      tpu.enqueue_dma source(%arg5 : memref<625x16xf32, #tpu.memory_space<vmem>>) target(%dma_start3A_25 : memref<625x16xf32, #tpu.memory_space<hbm>>) target_semaphore(%run_scoped3A : memref<!tpu.dma_semaphore, #tpu.memory_space<semaphore_mem>>)
      %dma_wait3A = arith.constant 0 : i32
      %dma_wait3A_26 = arith.constant 0 : i32
      %dma_wait3A_27 = tpu.memref_slice %arg3[%add3A, %dma_wait3A, %dma_wait3A_26] : memref<32x625x16xf32, #tpu.memory_space<hbm>> -> memref<1x625x16xf32, #tpu.memory_space<hbm>>
      %dma_wait3A_28 = tpu.memref_squeeze %dma_wait3A_27 : memref<1x625x16xf32, #tpu.memory_space<hbm>> -> memref<625x16xf32, #tpu.memory_space<hbm>>
      %dma_wait3A_29 = arith.constant 0 : i32
      %dma_wait3A_30 = arith.constant 0 : i32
      %dma_wait3A_31 = tpu.memref_slice %arg3[%add3A, %dma_wait3A_29, %dma_wait3A_30] : memref<32x625x16xf32, #tpu.memory_space<hbm>> -> memref<1x625x16xf32, #tpu.memory_space<hbm>>
      %dma_wait3A_32 = tpu.memref_squeeze %dma_wait3A_31 : memref<1x625x16xf32, #tpu.memory_space<hbm>> -> memref<625x16xf32, #tpu.memory_space<hbm>>
      tpu.wait_dma2 semaphore(%run_scoped3A : memref<!tpu.dma_semaphore, #tpu.memory_space<semaphore_mem>>) src(%arg5 : memref<625x16xf32, #tpu.memory_space<vmem>>) dst(%dma_wait3A_32 : memref<625x16xf32, #tpu.memory_space<hbm>>)
      tpu.yield
    }) : () -> ()
    return
  }
}

module attributes {stable_mosaic.version = 14 : i64} {
  func.func @_dis_body(%arg0: i32, %arg1: memref<32x625x16xf32, #tpu.memory_space<vmem>>, %arg2: memref<625x16xf32, #tpu.memory_space<vmem>>) attributes {dimension_semantics = [#tpu.dimension_semantics<arbitrary>], iteration_bounds = array<i64: 1>, scalar_prefetch = 0 : i64, scratch_operands = 0 : i64, tpu.core_type = #tpu.core_type<tc>, window_params = [{pipeline_mode = #tpu.pipeline_mode<synchronous>, transform_indices = @transform_0, window_bounds = array<i64: 32, 625, 16>}, {pipeline_mode = #tpu.pipeline_mode<synchronous>, transform_indices = @transform_1, window_bounds = array<i64: 625, 16>}]} {
    %get3A = arith.constant 0 : index
    %get3A_0 = arith.constant 0 : index
    %get3A_1 = arith.constant 0 : index
    %get3A_2 = vector.load %arg1[%get3A, %get3A_0, %get3A_1] : memref<32x625x16xf32, #tpu.memory_space<vmem>>, vector<32x625x16xf32>
    %reduce_sum3A = arith.constant dense<0.000000e+00> : vector<625x16xf32>
    %reduce_sum3A_3 = vector.multi_reduction <add>, %get3A_2, %reduce_sum3A [0] : vector<32x625x16xf32> to vector<625x16xf32>
    %gt3A = arith.constant 0.000000e+00 : f32
    %gt3A_4 = vector.broadcast %gt3A : f32 to vector<625x16xf32>
    %gt3A_5 = arith.cmpf ogt, %reduce_sum3A_3, %gt3A_4 : vector<625x16xf32>
    %gt3A_6 = arith.constant 0.000000e+00 : f32
    %gt3A_7 = vector.broadcast %gt3A_6 : f32 to vector<625x16xf32>
    %gt3A_8 = arith.cmpf ogt, %reduce_sum3A_3, %gt3A_7 : vector<625x16xf32>
    %jit3A = arith.constant 1.000000e+00 : f32
    %broadcast_in_dim3A = vector.broadcast %jit3A : f32 to vector<625x16xf32>
    %select_n3A = arith.select %gt3A_8, %reduce_sum3A_3, %broadcast_in_dim3A : vector<625x16xi1>, vector<625x16xf32>
    %rsqrt3A = math.rsqrt %select_n3A : vector<625x16xf32>
    %jit3A_9 = arith.constant 0.000000e+00 : f32
    %broadcast_in_dim3A_10 = vector.broadcast %jit3A_9 : f32 to vector<625x16xf32>
    %select_n3A_11 = arith.select %gt3A_5, %rsqrt3A, %broadcast_in_dim3A_10 : vector<625x16xi1>, vector<625x16xf32>
    %swap3A = arith.constant 0 : index
    %swap3A_12 = arith.constant 0 : index
    %swap3A_13 = vector.load %arg2[%swap3A, %swap3A_12] : memref<625x16xf32, #tpu.memory_space<vmem>>, vector<625x16xf32>
    tpu.vector_store %arg2[%swap3A, %swap3A_12], %select_n3A_11 {strides = array<i32>} : memref<625x16xf32, #tpu.memory_space<vmem>>, vector<625x16xf32>,
    return
  }
  func.func @transform_0(%arg0: i32) -> (i32, i32, i32) {
    %c0_i32 = arith.constant 0 : i32
    %c0_i32_0 = arith.constant 0 : i32
    %c0_i32_1 = arith.constant 0 : i32
    %c0_i32_2 = arith.constant 0 : i32
    return %c0_i32, %c0_i32_0, %c0_i32_1 : i32, i32, i32
  }
  func.func @transform_1(%arg0: i32) -> (i32, i32) {
    %c0_i32 = arith.constant 0 : i32
    %c0_i32_0 = arith.constant 0 : i32
    %c0_i32_1 = arith.constant 0 : i32
    return %c0_i32, %c0_i32_0 : i32, i32
  }
}

module attributes {stable_mosaic.version = 14 : i64} {
  func.func @_mm_body(%arg0: i32, %arg1: memref<2000x128xf32, #tpu.memory_space<vmem>>, %arg2: memref<128x128xf32, #tpu.memory_space<vmem>>, %arg3: memref<2000x1xf32, #tpu.memory_space<vmem>>, %arg4: memref<2000x128xf32, #tpu.memory_space<vmem>>) attributes {dimension_semantics = [#tpu.dimension_semantics<arbitrary>], iteration_bounds = array<i64: 5>, scalar_prefetch = 0 : i64, scratch_operands = 0 : i64, tpu.core_type = #tpu.core_type<tc>, window_params = [{transform_indices = @transform_0, window_bounds = array<i64: 2000, 128>}, {pipeline_mode = #tpu.pipeline_mode<synchronous>, transform_indices = @transform_1, window_bounds = array<i64: 128, 128>}, {transform_indices = @transform_2, window_bounds = array<i64: 2000, 1>}, {transform_indices = @transform_3, window_bounds = array<i64: 2000, 128>}]} {
    %get3A = arith.constant 0 : index
    %get3A_0 = arith.constant 0 : index
    %get3A_1 = vector.load %arg1[%get3A, %get3A_0] : memref<2000x128xf32, #tpu.memory_space<vmem>>, vector<2000x128xf32>
    %get3A_2 = arith.constant 0 : index
    %get3A_3 = arith.constant 0 : index
    %get3A_4 = vector.load %arg2[%get3A_2, %get3A_3] : memref<128x128xf32, #tpu.memory_space<vmem>>, vector<128x128xf32>
    %dot_general3A = arith.constant dense<0.000000e+00> : vector<2000x128xf32>
    %dot_general3A_5 = tpu.matmul %get3A_1, %get3A_4, %dot_general3A {dimension_numbers = #tpu.dot_dimension_numbers<[1], [0], [0], [1], [0, 0, 1, 1], [], []>, transpose_lhs_hint = false} : vector<2000x128xf32>, vector<128x128xf32>, vector<2000x128xf32> -> vector<2000x128xf32>
    %get3A_6 = arith.constant 0 : index
    %get3A_7 = arith.constant 0 : index
    %get3A_8 = vector.load %arg3[%get3A_6, %get3A_7] : memref<2000x1xf32, #tpu.memory_space<vmem>>, vector<2000x1xf32>
    %mul3A = vector.broadcast %get3A_8 : vector<2000x1xf32> to vector<2000x128xf32>
    %mul3A_9 = arith.mulf %dot_general3A_5, %mul3A : vector<2000x128xf32>
    %swap3A = arith.constant 0 : index
    %swap3A_10 = arith.constant 0 : index
    %swap3A_11 = vector.load %arg4[%swap3A, %swap3A_10] : memref<2000x128xf32, #tpu.memory_space<vmem>>, vector<2000x128xf32>
    tpu.vector_store %arg4[%swap3A, %swap3A_10], %mul3A_9 {strides = array<i32>} : memref<2000x128xf32, #tpu.memory_space<vmem>>, vector<2000x128xf32>,
    return
  }
  func.func @transform_0(%arg0: i32) -> (i32, i32) {
    %c0_i32 = arith.constant 0 : i32
    %c0_i32_0 = arith.constant 0 : i32
    return %arg0, %c0_i32 : i32, i32
  }
  func.func @transform_1(%arg0: i32) -> (i32, i32) {
    %c0_i32 = arith.constant 0 : i32
    %c0_i32_0 = arith.constant 0 : i32
    %c0_i32_1 = arith.constant 0 : i32
    return %c0_i32, %c0_i32_0 : i32, i32
  }
  func.func @transform_2(%arg0: i32) -> (i32, i32) {
    %c0_i32 = arith.constant 0 : i32
    %c0_i32_0 = arith.constant 0 : i32
    return %arg0, %c0_i32 : i32, i32
  }
  func.func @transform_3(%arg0: i32) -> (i32, i32) {
    %c0_i32 = arith.constant 0 : i32
    %c0_i32_0 = arith.constant 0 : i32
    return %arg0, %c0_i32 : i32, i32
  }
}

module attributes {stable_mosaic.version = 14 : i64} {
  func.func @_fin_body(%arg0: i32, %arg1: memref<2x2000x128xf32, #tpu.memory_space<vmem>>, %arg2: memref<2000x1xf32, #tpu.memory_space<vmem>>, %arg3: memref<1x128xf32, #tpu.memory_space<vmem>>, %arg4: memref<1x128xf32, #tpu.memory_space<vmem>>, %arg5: memref<1x128xf32, #tpu.memory_space<vmem>>, %arg6: memref<2000x128xf32, #tpu.memory_space<vmem>>) attributes {dimension_semantics = [#tpu.dimension_semantics<arbitrary>], iteration_bounds = array<i64: 5>, scalar_prefetch = 0 : i64, scratch_operands = 0 : i64, tpu.core_type = #tpu.core_type<tc>, window_params = [{transform_indices = @transform_0, window_bounds = array<i64: 2, 2000, 128>}, {transform_indices = @transform_1, window_bounds = array<i64: 2000, 1>}, {pipeline_mode = #tpu.pipeline_mode<synchronous>, transform_indices = @transform_2, window_bounds = array<i64: 1, 128>}, {pipeline_mode = #tpu.pipeline_mode<synchronous>, transform_indices = @transform_3, window_bounds = array<i64: 1, 128>}, {pipeline_mode = #tpu.pipeline_mode<synchronous>, transform_indices = @transform_4, window_bounds = array<i64: 1, 128>}, {transform_indices = @transform_5, window_bounds = array<i64: 2000, 128>}]} {
    %get3A = arith.constant 0 : index
    %get3A_0 = arith.constant 0 : index
    %get3A_1 = arith.constant 0 : index
    %get3A_2 = vector.load %arg1[%get3A, %get3A_0, %get3A_1] : memref<2x2000x128xf32, #tpu.memory_space<vmem>>, vector<1x2000x128xf32>
    %get3A_3 = vector.shape_cast %get3A_2 : vector<1x2000x128xf32> to vector<2000x128xf32>
    %get3A_4 = arith.constant 1 : index
    %get3A_5 = arith.constant 0 : index
    %get3A_6 = arith.constant 0 : index
    %get3A_7 = vector.load %arg1[%get3A_4, %get3A_5, %get3A_6] : memref<2x2000x128xf32, #tpu.memory_space<vmem>>, vector<1x2000x128xf32>
    %get3A_8 = vector.shape_cast %get3A_7 : vector<1x2000x128xf32> to vector<2000x128xf32>
    %add3A = arith.addf %get3A_3, %get3A_8 : vector<2000x128xf32>
    %get3A_9 = arith.constant 0 : index
    %get3A_10 = arith.constant 0 : index
    %get3A_11 = vector.load %arg2[%get3A_9, %get3A_10] : memref<2000x1xf32, #tpu.memory_space<vmem>>, vector<2000x1xf32>
    %mul3A = vector.broadcast %get3A_11 : vector<2000x1xf32> to vector<2000x128xf32>
    %mul3A_12 = arith.mulf %add3A, %mul3A : vector<2000x128xf32>
    %get3A_13 = arith.constant 0 : index
    %get3A_14 = arith.constant 0 : index
    %get3A_15 = vector.load %arg3[%get3A_13, %get3A_14] : memref<1x128xf32, #tpu.memory_space<vmem>>, vector<1x128xf32>
    %add3A_16 = vector.broadcast %get3A_15 : vector<1x128xf32> to vector<2000x128xf32>
    %add3A_17 = arith.addf %mul3A_12, %add3A_16 : vector<2000x128xf32>
    %reduce_sum3A = arith.constant dense<0.000000e+00> : vector<2000xf32>
    %reduce_sum3A_18 = vector.multi_reduction <add>, %add3A_17, %reduce_sum3A [1] : vector<2000x128xf32> to vector<2000xf32>
    %broadcast_in_dim3A = vector.shape_cast %reduce_sum3A_18 : vector<2000xf32> to vector<2000x1xf32>
    %div3A = arith.constant 1.280000e+02 : f32
    %div3A_19 = vector.broadcast %div3A : f32 to vector<2000x1xf32>
    %div3A_20 = arith.divf %broadcast_in_dim3A, %div3A_19 : vector<2000x1xf32>
    %sub3A = vector.broadcast %div3A_20 : vector<2000x1xf32> to vector<2000x128xf32>
    %sub3A_21 = arith.subf %add3A_17, %sub3A : vector<2000x128xf32>
    %mul3A_22 = arith.mulf %sub3A_21, %sub3A_21 : vector<2000x128xf32>
    %reduce_sum3A_23 = arith.constant dense<0.000000e+00> : vector<2000xf32>
    %reduce_sum3A_24 = vector.multi_reduction <add>, %mul3A_22, %reduce_sum3A_23 [1] : vector<2000x128xf32> to vector<2000xf32>
    %broadcast_in_dim3A_25 = vector.shape_cast %reduce_sum3A_24 : vector<2000xf32> to vector<2000x1xf32>
    %div3A_26 = arith.constant 1.280000e+02 : f32
    %div3A_27 = vector.broadcast %div3A_26 : f32 to vector<2000x1xf32>
    %div3A_28 = arith.divf %broadcast_in_dim3A_25, %div3A_27 : vector<2000x1xf32>
    %add3A_29 = arith.constant 9.99999974E-6 : f32
    %add3A_30 = vector.broadcast %add3A_29 : f32 to vector<2000x1xf32>
    %add3A_31 = arith.addf %div3A_28, %add3A_30 : vector<2000x1xf32>
    %rsqrt3A = math.rsqrt %add3A_31 : vector<2000x1xf32>
    %mul3A_32 = vector.broadcast %rsqrt3A : vector<2000x1xf32> to vector<2000x128xf32>
    %mul3A_33 = arith.mulf %sub3A_21, %mul3A_32 : vector<2000x128xf32>
    %get3A_34 = arith.constant 0 : index
    %get3A_35 = arith.constant 0 : index
    %get3A_36 = vector.load %arg4[%get3A_34, %get3A_35] : memref<1x128xf32, #tpu.memory_space<vmem>>, vector<1x128xf32>
    %mul3A_37 = vector.broadcast %get3A_36 : vector<1x128xf32> to vector<2000x128xf32>
    %mul3A_38 = arith.mulf %mul3A_33, %mul3A_37 : vector<2000x128xf32>
    %get3A_39 = arith.constant 0 : index
    %get3A_40 = arith.constant 0 : index
    %get3A_41 = vector.load %arg5[%get3A_39, %get3A_40] : memref<1x128xf32, #tpu.memory_space<vmem>>, vector<1x128xf32>
    %add3A_42 = vector.broadcast %get3A_41 : vector<1x128xf32> to vector<2000x128xf32>
    %add3A_43 = arith.addf %mul3A_38, %add3A_42 : vector<2000x128xf32>
    %gt3A = arith.constant 0.000000e+00 : f32
    %gt3A_44 = vector.broadcast %gt3A : f32 to vector<2000x128xf32>
    %gt3A_45 = arith.cmpf ogt, %add3A_43, %gt3A_44 : vector<2000x128xf32>
    %mul3A_46 = arith.constant 2.000000e-01 : f32
    %mul3A_47 = vector.broadcast %mul3A_46 : f32 to vector<2000x128xf32>
    %mul3A_48 = arith.mulf %mul3A_47, %add3A_43 : vector<2000x128xf32>
    %select_n3A = arith.select %gt3A_45, %add3A_43, %mul3A_48 : vector<2000x128xi1>, vector<2000x128xf32>
    %swap3A = arith.constant 0 : index
    %swap3A_49 = arith.constant 0 : index
    %swap3A_50 = vector.load %arg6[%swap3A, %swap3A_49] : memref<2000x128xf32, #tpu.memory_space<vmem>>, vector<2000x128xf32>
    tpu.vector_store %arg6[%swap3A, %swap3A_49], %select_n3A {strides = array<i32>} : memref<2000x128xf32, #tpu.memory_space<vmem>>, vector<2000x128xf32>,
    return
  }
  func.func @transform_0(%arg0: i32) -> (i32, i32, i32) {
    %c0_i32 = arith.constant 0 : i32
    %c0_i32_0 = arith.constant 0 : i32
    %c0_i32_1 = arith.constant 0 : i32
    return %c0_i32, %arg0, %c0_i32_0 : i32, i32, i32
  }
  func.func @transform_1(%arg0: i32) -> (i32, i32) {
    %c0_i32 = arith.constant 0 : i32
    %c0_i32_0 = arith.constant 0 : i32
    return %arg0, %c0_i32 : i32, i32
  }
  func.func @transform_2(%arg0: i32) -> (i32, i32) {
    %c0_i32 = arith.constant 0 : i32
    %c0_i32_0 = arith.constant 0 : i32
    %c0_i32_1 = arith.constant 0 : i32
    return %c0_i32, %c0_i32_0 : i32, i32
  }
  func.func @transform_3(%arg0: i32) -> (i32, i32) {
    %c0_i32 = arith.constant 0 : i32
    %c0_i32_0 = arith.constant 0 : i32
    %c0_i32_1 = arith.constant 0 : i32
    return %c0_i32, %c0_i32_0 : i32, i32
  }
  func.func @transform_4(%arg0: i32) -> (i32, i32) {
    %c0_i32 = arith.constant 0 : i32
    %c0_i32_0 = arith.constant 0 : i32
    %c0_i32_1 = arith.constant 0 : i32
    return %c0_i32, %c0_i32_0 : i32, i32
  }
  func.func @transform_5(%arg0: i32) -> (i32, i32) {
    %c0_i32 = arith.constant 0 : i32
    %c0_i32_0 = arith.constant 0 : i32
    return %arg0, %c0_i32 : i32, i32
  }
}

</mosaic_0001>

<sc_bundles>
// kernel: kernel.10.cloned.1.call-start
scs
__scs_entry_jumppad:
0x0: {  	(pc) =	sbr.rel $0x88, $3  }
0x1: {  	(tag) =	ssettag $0x0;
	lr =	simm.s32 $0x1  }
0x2: {  	[smem:$0x3F9B] =	sst lr;
	_ =	strace $0xD0000000  }
0x3: {  	_ = 	snop  }
0x4: {  	_ = 	snop  }
0x5: {  	_ = 	snop  }
0x6: {  	_ = 	snop  }
0x7: {  	_ = 	snop  }
__scs_overlays_trampoline_lowered:
0x8: {  	[smem:$0x3FAA] =	sst s0  }
0x9: {  	[smem:$0x3FAB] =	sst s1  }
0xa: {  	[smem:$0x3FAC] =	sst s2  }
0xb: {  	[smem:$0x3FAD] =	sst s3  }
0xc: {  	[smem:$0x3FAE] =	sst s4  }
0xd: {  	[smem:$0x3FAF] =	sst s5  }
0xe: {  	[smem:$0x3FB0] =	sst s6  }
0xf: {  	[smem:$0x3FB1] =	sst s7  }
0x10: {  	[smem:$0x3FB2] =	sst s8  }
0x11: {  	[smem:$0x3FB3] =	sst s9;
	s0 =	simm.s32 @!p0 $0x0  }
0x12: {  	s1 =	sld [smem:$0x3F99];
	s0 =	simm.s32 @p0 $0x1  }
0x13: {  	[smem:$0x3FB4] =	sst s0;
	s0 =	simm.s32 @!p1 $0x0  }
0x14: {  	s2 =	sld [smem:$0x3F98];
	s0 =	simm.s32 @p1 $0x1  }
0x15: {  	[smem:$0x3FB5] =	sst s0;
	s0 =	simm.s32 @!p2 $0x0  }
0x16: {  	s3 =	sld [smem:$0x3FDB];
	s0 =	simm.s32 @p2 $0x1  }
0x17: {  	s4 =	simm.s32 $0x1BF5;
	[smem:$0x3FB7] =	sst s0  }
0x18: {  	s0 =	sld [smem:$0x3F9A];
	_ =	swait.ge [sflag:s4], $0x0  }
0x19: {  	s7 =	sld [smem:$0x3F9B]  }
0x1a: {  	s8 =	sadd.s32 $0xFFFFE003, lr  }
0x1b: {  	s9 =	sadd.s32 $0xFFFFFEF7, lr;
	s5 =	simm.s32 $0xFFFFFFFF;
	p2 =	slt.u32 s8, $0xFFFFF086  }
0x1c: {  	p1 =	slt.u32 s9, $0xF7A;
	s5 =	simm.s32 @!p2 $0x0  }
0x1d: {  	s5 =	simm.s32 @p1 $0x1;
	p0 =	seq.s32 s7, s2  }
0x1e: {  	s7 =	smul.u32 @!p0 $0xF7A, s2;
	p2 =	seq.s32 @!p0 s5, $0x0  }
0x1f: {  	s9 =	smul.u32 $0xF7A, s1;
	s8 =	simm.s32 @!p0 $0x1BF5;
	p2 =	por !p2, p0  }
0x20: {  	[sflag:s8] =	ssyncset.s32 @!p0 $0xFFFFF086;
	s6 =	sadd.s32 @!p0 s3, s7;
	s7 =	simm.s32 @!p0 $0x108  }
0x21: {  	s3 =	sadd.s32 s3, s9;
	s6 =	sadd.s32 @!p0 $0x88, s6;
	s7 =	simm.s32 @p2 $0x1082  }
0x22: {  	[simem:s7], [sflag:s8] =	dma.local @!p0 [hbm:s6], $0xF7A  }
0x23: {  	s9 =	sor.u32 $0xD0000000, s2;
	s6 =	simm.s32 $0x108;
	_ =	swait.ge @!p0 [sflag:s8], $0x0  }
0x24: {  	s3 =	sadd.s32 $0x88, s3;
	s6 =	simm.s32 @!p1 $0x1082;
	[sflag:s4] =	ssyncset.s32 $0xFFFFF086  }
0x25: {  	[simem:s6], [sflag:s4] =	dma.local [hbm:s3], $0xF7A  }
0x26: {  	[smem:$0x3F9B] =	sst s1;
	(tag) =	ssettag s2;
	_ =	strace s9  }
0x27: {  	s1 =	sld [smem:$0x3FAB]  }
0x28: {  	s2 =	sld [smem:$0x3FAC]  }
0x29: {  	s4 =	sld [smem:$0x3FAE]  }
0x2a: {  	p0 =	seq.s32 s5, $0x0;
	s5 =	sld [smem:$0x3FAF]  }
0x2b: {  	s6 =	sld [smem:$0x3FB0]  }
0x2c: {  	s7 =	sld [smem:$0x3FB1]  }
0x2d: {  	s3 =	simm.s32 $0x108;
	s8 =	sld [smem:$0x3FB2]  }
0x2e: {  	s3 =	simm.s32 @!p0 $0x1082;
	s9 =	sld [smem:$0x3FB3]  }
0x2f: {  	lr =	sadd.s32 s0, s3;
	s0 =	sld [smem:$0x3FAA]  }
0x30: {  	s3 =	sld [smem:$0x3FAD]  }
0x31: {  	[smem:$0x3FB6] =	sst s10  }
0x32: {  	s10 =	sld [smem:$0x3FB4];
	_ =	sdelay $0x3  }
0x33: {  	p0 =	seq.s32 s10, $0x1;
	s10 =	sld [smem:$0x3FB6];
	_ =	sdelay $0x3  }
0x34: {  	[smem:$0x3FB6] =	sst s10  }
0x35: {  	s10 =	sld [smem:$0x3FB5];
	_ =	sdelay $0x3  }
0x36: {  	p1 =	seq.s32 s10, $0x1;
	s10 =	sld [smem:$0x3FB6];
	_ =	sdelay $0x3  }
0x37: {  	[smem:$0x3FB6] =	sst s10  }
0x38: {  	s10 =	sld [smem:$0x3FB7]  }
0x39: {  	_ = 	snop;
	(pc) =	sbr.ind lr, $3  }
0x3a: {  	_ = 	snop  }
0x3b: {  	_ = 	snop  }
0x3c: {  	p2 =	seq.s32 s10, $0x1;
	s10 =	sld [smem:$0x3FB6]  }
0x3d: {  	_ =	shalt  }
0x3e: {  	_ =	shalt  }
0x3f: {  	_ =	shalt  }
0x40: {  	_ =	shalt  }
0x41: {  	_ =	shalt  }
0x42: {  	_ =	shalt  }
0x43: {  	_ =	shalt  }
0x44: {  	_ =	shalt  }
0x45: {  	_ =	shalt  }
0x46: {  	_ =	shalt  }
0x47: {  	_ =	shalt  }
0x48: {  	_ =	shalt  }
0x49: {  	_ =	shalt  }
0x4a: {  	_ =	shalt  }
0x4b: {  	_ =	shalt  }
0x4c: {  	_ =	shalt  }
0x4d: {  	_ =	shalt  }
0x4e: {  	_ =	shalt  }
0x4f: {  	_ =	shalt  }
0x50: {  	_ =	shalt  }
0x51: {  	_ =	shalt  }
0x52: {  	_ =	shalt  }
0x53: {  	_ =	shalt  }
0x54: {  	_ =	shalt  }
0x55: {  	_ =	shalt  }
0x56: {  	_ =	shalt  }
0x57: {  	_ =	shalt  }
0x58: {  	_ =	shalt  }
0x59: {  	_ =	shalt  }
0x5a: {  	_ =	shalt  }
0x5b: {  	_ =	shalt  }
0x5c: {  	_ =	shalt  }
0x5d: {  	_ =	shalt  }
0x5e: {  	_ =	shalt  }
0x5f: {  	_ =	shalt  }
0x60: {  	_ =	shalt  }
0x61: {  	_ =	shalt  }
0x62: {  	_ =	shalt  }
0x63: {  	_ =	shalt  }
0x64: {  	_ =	shalt  }
0x65: {  	_ =	shalt  }
0x66: {  	_ =	shalt  }
0x67: {  	_ =	shalt  }
0x68: {  	_ =	shalt  }
0x69: {  	_ =	shalt  }
0x6a: {  	_ =	shalt  }
0x6b: {  	_ =	shalt  }
0x6c: {  	_ =	shalt  }
0x6d: {  	_ =	shalt  }
0x6e: {  	_ =	shalt  }
0x6f: {  	_ =	shalt  }
0x70: {  	_ =	shalt  }
0x71: {  	_ =	shalt  }
0x72: {  	_ =	shalt  }
0x73: {  	_ =	shalt  }
0x74: {  	_ =	shalt  }
0x75: {  	_ =	shalt  }
0x76: {  	_ =	shalt  }
0x77: {  	_ =	shalt  }
0x78: {  	_ =	shalt  }
0x79: {  	_ =	shalt  }
0x7a: {  	_ =	shalt  }
0x7b: {  	_ =	shalt  }
0x7c: {  	_ =	shalt  }
0x7d: {  	_ =	shalt  }
0x7e: {  	_ =	shalt  }
0x7f: {  	_ =	shalt  }
0x80: {  	_ =	shalt  }
0x81: {  	_ =	shalt  }
0x82: {  	_ =	shalt  }
0x83: {  	_ =	shalt  }
0x84: {  	_ =	shalt  }
0x85: {  	_ =	shalt  }
0x86: {  	_ =	shalt  }
0x87: {  	_ =	shalt  }
.Lfunc_end0:
.L_simem_size_0:
called_computation.1_lowered:
.L_overlay_start_0:
0x88: {  	s2 =	sld [smem:$0x3FD9]  }
0x89: {  	s3 =	sld [smem:$0x3FFE];
	_ =	sdelay $0x1  }
0x8a: {  	s1 =	srdreg.scid  }
0x8b: {  	s0 =	sand.u32 $0x1, s1  }
0x8c: {  	s17 =	sshll.u32 s0, $0xA;
	s2 =	sadd.s32 s3, s2  }
0x8d: {  	s2 =	sadd.s32 s2, s17  }
0x8e: {  	[smem:$0x3FC2] =	sst s2  }
0x8f: {  	_ = 	snop  }
0x90: {  	s2 =	sld [smem:$0x3FD0];
	(tm) =	ssettm $0x1  }
0x91: {  	s18 =	sld [smem:$0x3FFB];
	_ =	sdelay $0x3  }
0x92: {  	_ =	strace s18  }
0x93: {  	s3 =	sld [smem:$0x3FFC];
	_ =	sdelay $0x3  }
0x94: {  	_ =	strace s3  }
0x95: {  	s3 =	sld [smem:$0x3FFD];
	_ =	sdelay $0x3  }
0x96: {  	_ =	strace s3  }
0x97: {  	_ =	strace $0x8FFFFFFF  }
0x98: {  	s19 =	sld [smem:$0x3FDB];
	_ =	sdelay $0x1  }
0x99: {  	s4 =	simm.s32 $_scs_section_size  }
0x9a: {  	s5 =	simm.s32 $_size__tile_overlayer_lowered;
	s6 =	simm.s32 $_tile_overlayer_lowered  }
0x9b: {  	s22 =	simm.s32 $0x1BFF;
	s21 =	sshll.u32 s6, $0x1;
	s3 =	sadd.s32 s4, s19  }
0x9c: {  	s7 =	simm.s32 $0x0;
	s20 =	sshll.u32 s5, $0x1;
	s5 =	sadd.s32 s21, s3  }
0x9d: {  	[timem:s7], [sflag:s22] =	dma.local [hbm:s5], s20  }
0x9e: {  	_ =	swait.ge [sflag:s22], s20  }
0x9f: {  	s4 =	ssub.s32 $0x0, s20;
	[sflag:s22] =	ssyncset.done $0x0  }
0xa0: {  	[sflag:s22] =	ssyncadd.s32 s4;
	_ =	sdelay $0x1  }
0xa1: {  	s23 =	simm.s32 $0x1B8B  }
0xa2: {  	_ =	swait.ge [sflag:s23], $0x1  }
0xa3: {  	[sflag:s23] =	ssyncset.done $0x0  }
0xa4: {  	s25 =	simm.s32 $0x1B8E;
	s24 =	sld [smem:$0x3FFE];
	[sflag:s23] =	ssyncadd.s32 $0xFFFFFFFF  }
0xa5: {  	s26 =	simm.s32 $execute0_lowered;
	[smem:$0x3FD2] =	sst s25  }
0xa6: {  	s5 =	sshll.u32 s26, $0x1;
	_ =	strace $0x80000049;
	[dreg:$0x1] =	wrdreg $0xFFFFFFFF  }
0xa7: {  	s28 =	simm.s32 $_size_execute0_lowered;
	s3 =	sadd.s32 s3, s5;
	[dreg:$0x0] =	wrdreg $0x0  }
0xa8: {  	s5 =	sshll.u32 s28, $0x1;
	[dreg:$0x2] =	wrdreg s3  }
0xa9: {  	[dreg:$0x3] =	wrdreg s5  }
0xaa: {  	[dreg:$0x4] =	wrdreg $0xC0  }
0xab: {  	_ =	task [dreg:s7], $0x5FFFF  }
0xac: {  	[dreg:$0x1] =	wrdreg $0xFFFFFFFF  }
0xad: {  	[dreg:$0x0] =	wrdreg $0x60  }
0xae: {  	[dreg:$0x2] =	wrdreg s2  }
0xaf: {  	[dreg:$0x3] =	wrdreg s24  }
0xb0: {  	[dreg:$0x4] =	wrdreg $0x90000  }
0xb1: {  	[dreg:$0x5] =	wrdreg $0x9  }
0xb2: {  	_ =	task.clear_ibuf [dreg:s7], $0x6FFFF;
	_ =	strace $0x90000049  }
0xb3: {  	s29 =	simm.s32 $0x9;
	_ =	strace $0x8000004B  }
0xb4: {  	_ =	swait.ge [sflag:s29], $0x1  }
0xb5: {  	[sflag:s29] =	ssyncadd.s32 $0xFFFFFFFF  }
0xb6: {  	_ =	strace $0x9000004B  }
0xb7: {  	_ =	sfence  }
0xb8: {  	s30 =	sld [smem:$0x0];
	_ =	sdelay $0x2  }
0xb9: {  	s31 =	sshll.u32 s1, $0xD;
	s1 =	sshrl.u32 s1, $0x2  }
0xba: {  	s3 =	sand.u32 $0x4000, s31;
	s1 =	sadd.s32 s1, s30  }
0xbb: {  	s0 =	sor.u32 s3, s0;
	s1 =	sshll.u32 s1, $0x11  }
0xbc: {  	s0 =	sor.u32 s1, s0  }
0xbd: {  	s0 =	sadd.s32 $0x8F2B, s0  }
0xbe: {  	[sflag:s0] =	ssyncadd.remote.s32 $0x1  }
0xbf: {  	_ =	sfence.sel $0xFFFF  }
0xc0: {  	[dreg:$0x0] =	wrdreg $0xFFFFFFFF;
	(pc) =	sbr.abs _section_cstart, $3  }
0xc1: {  	[dreg:$0x1] =	wrdreg $0xFFFFFFFF  }
0xc2: {  	_ =	task.clear_ibuf [dreg:s7], $0x2FFFF;
	_ =	strace $0x9FFFFFFF  }
0xc3: {  	(tm) =	ssettm $0x7FFFFFFF  }
tec
execute0_lowered:
.L_overlay_start_1:
0x0: {  	(tag) =	ssettag $0x1  }
0x1: {  	s1 =	rddreg [dreg:$0x0]  }
0x2: {  	s6 =	rddreg [dreg:$0x1];
	s2 =	srdreg.scid  }
0x3: {  	s0 =	stileid.u32;
	s3 =	rddreg [dreg:$0x2]  }
0x4: {  	s4 =	simm.s32 $0x0;
	s25 =	simm.s32 $0x5000;
	s26 =	simm.s32 $0x7D  }
0x5: {  	s28 =	simm.s32 $0x1;
	s29 =	simm.s32 $0x0;
	s10 =	sand.u32 $0x1, s2  }
0x6: {  	s5 =	sshll.u32 s0, $0x1;
	[smem:$0x7FF] =	sst s4;
	s8 =	smul.u32 $0x4E000, s0  }
0x7: {  	s13 =	smul.u32 $0x13800, s0;
	s21 =	sadd.s32 $0x2400, s6;
	s14 =	sadd.s32 $0x138000, s3  }
0x8: {  	p0 =	sne.s32 s0, $0xF;
	s5 =	sor.u32 s10, s5;
	s19 =	smul.u32 $0x138800, s10  }
0x9: {  	_ =	strace $0x8000004A;
	s7 =	ssub.s32 $0x2, s10;
	s5 =	smul.u32 $0x2800, s5  }
0xa: {  	s11 =	sshrl.u32 s7, $0x1;
	s8 =	sshrl.u32 s8, $0x2;
	s16 =	sadd.s32 $0x3400, s13  }
0xb: {  	s17 =	sadd.s32 $0x6800, s13;
	s18 =	sadd.s32 $0x9C00, s13;
	s20 =	sadd.s32 $0xD000, s13  }
0xc: {  	s23 =	sadd.s32 $0x10400, s13;
	s22 =	ssub.s32 s7, s11;
	s8 =	sadd.s32 s8, s3  }
0xd: {  	s10 =	sadd.s32 s17, s3;
	s11 =	sadd.s32 s18, s3;
	s12 =	sadd.s32 s20, s3  }
0xe: {  	s15 =	sadd.s32 s13, s19;
	s13 =	sadd.s32 s23, s3;
	s17 =	sadd.s32 s19, s17  }
0xf: {  	s18 =	sadd.s32 s19, s18;
	s20 =	sadd.s32 s19, s20;
	s23 =	sadd.s32 s19, s23  }
0x10: {  	s24 =	sshrl.u32 s19, $0x3;
	s5 =	sshrl.u32 s5, $0x3;
	s15 =	sshrl.u32 s15, $0x3  }
0x11: {  	s17 =	sshrl.u32 s17, $0x3;
	s18 =	sshrl.u32 s18, $0x3;
	s20 =	sshrl.u32 s20, $0x3  }
0x12: {  	s23 =	sshrl.u32 s23, $0x3;
	s9 =	sadd.s32 s5, s6;
	s5 =	sadd.s32 $0x1C00, s6  }
0x13: {  	s15 =	sadd.s32 s21, s15;
	s17 =	sadd.s32 s21, s17;
	s6 =	sadd.s32 $0x50C00, s9  }
0x14: {  	s7 =	sadd.s32 $0x5AC00, s9;
	s9 =	sadd.s32 s16, s3;
	s16 =	sadd.s32 s19, s16  }
0x15: {  	s18 =	sadd.s32 s21, s18;
	s19 =	sadd.s32 s21, s20;
	s16 =	sshrl.u32 s16, $0x3  }
0x16: {  	s20 =	sadd.s32 s21, s23;
	s16 =	sadd.s32 s21, s16;
	s21 =	sadd.s32 s21, s24  }
0x17: {  	s22 =	smax.u32 s22, $0x1;
	s23 =	simm.s32 $0x2;
	s21 =	sadd.s32 $0x27000, s21  }
.LBB2_1:
0x18: {  	[tilespmem:s4], [sflag:$0x2] =	stream.linear.gather [hbm4b:s6+s4], $0x2800, $0x38;
	[tilespmem:$0x1C880] =	vst v63  }
0x19: {  	_ =	swait.ge [sflag:s23], $0x2800  }
0x1a: {  	[sflag:s23] =	ssyncset.done $0x0  }
0x1b: {  	s0 =	simm.s32 $0x2800;
	[sflag:s23] =	ssyncadd.s32 $0xFFFFD800  }
0x1c: {  	[tilespmem:s0], [sflag:$0x2] =	stream.linear.gather [hbm4b:s7+s4], $0x2800, $0x38;
	[tilespmem:$0x1C880] =	vst v63  }
0x1d: {  	_ =	swait.ge [sflag:s23], $0x2800  }
0x1e: {  	[sflag:s23] =	ssyncset.done $0x0  }
0x1f: {  	[sflag:s23] =	ssyncadd.s32 $0xFFFFD800  }
0x20: {  	[tilespmem:s25], [sflag:$0x2] =	stream.linear.gather [hbm4b:s5+s4], $0x3400, $0x38;
	[tilespmem:$0x1C880] =	vst v63  }
0x21: {  	_ =	swait.ge [sflag:s23], $0x3400  }
0x22: {  	[sflag:s23] =	ssyncset.done $0x0  }
0x23: {  	[sflag:s23] =	ssyncadd.s32 $0xFFFFCC00  }
0x24: {  	[spmem:s8] =	stream.linear.scatter [tilespmem:s25], [sflag:$0x2], $0x3400, $0x38;
	[tilespmem:$0x1C880] =	vst v63  }
0x25: {  	_ =	swait.ge [sflag:s23], $0x3400  }
0x26: {  	[sflag:s23] =	ssyncset.done $0x0  }
0x27: {  	[sflag:s23] =	ssyncadd.s32 $0xFFFFCC00  }
0x28: {  	[spmem:s9] =	stream.linear.scatter [tilespmem:s25], [sflag:$0x2], $0x3400, $0x38;
	[tilespmem:$0x1C880] =	vst v63  }
0x29: {  	_ =	swait.ge [sflag:s23], $0x3400  }
0x2a: {  	[sflag:s23] =	ssyncset.done $0x0  }
0x2b: {  	[sflag:s23] =	ssyncadd.s32 $0xFFFFCC00  }
0x2c: {  	[spmem:s10] =	stream.linear.scatter [tilespmem:s25], [sflag:$0x2], $0x3400, $0x38;
	[tilespmem:$0x1C880] =	vst v63  }
0x2d: {  	_ =	swait.ge [sflag:s23], $0x3400  }
0x2e: {  	[sflag:s23] =	ssyncset.done $0x0  }
0x2f: {  	[sflag:s23] =	ssyncadd.s32 $0xFFFFCC00  }
0x30: {  	[spmem:s11] =	stream.linear.scatter [tilespmem:s25], [sflag:$0x2], $0x3400, $0x38;
	[tilespmem:$0x1C880] =	vst v63  }
0x31: {  	_ =	swait.ge [sflag:s23], $0x3400  }
0x32: {  	[sflag:s23] =	ssyncset.done $0x0  }
0x33: {  	[sflag:s23] =	ssyncadd.s32 $0xFFFFCC00  }
0x34: {  	[spmem:s12] =	stream.linear.scatter [tilespmem:s25], [sflag:$0x2], $0x3400, $0x38;
	[tilespmem:$0x1C880] =	vst v63  }
0x35: {  	_ =	swait.ge [sflag:s23], $0x3400  }
0x36: {  	[sflag:s23] =	ssyncset.done $0x0  }
0x37: {  	[sflag:s23] =	ssyncadd.s32 $0xFFFFCC00  }
0x38: {  	[spmem:s13] =	stream.linear.scatter [tilespmem:s25], [sflag:$0x2], $0x3400, $0x38;
	[tilespmem:$0x1C880] =	vst v63  }
0x39: {  	_ =	swait.ge [sflag:s23], $0x3400  }
0x3a: {  	[sflag:s23] =	ssyncset.done $0x0  }
0x3b: {  	s30 =	simm.s32 @!p0 $0x5000;
	[sflag:s23] =	ssyncadd.s32 $0xFFFFCC00  }
0x3c: {  	[spmem:s14] =	stream.linear.scatter @!p0 [tilespmem:s30], [sflag:$0x2], $0x800, $0x38;
	[tilespmem:$0x1C880] =	vst v63  }
0x3d: {  	s30 =	simm.s32 @!p0 $0x2  }
0x3e: {  	_ =	swait.ge @!p0 [sflag:s30], $0x800  }
0x3f: {  	[sflag:s30] =	ssyncset.done @!p0 $0x0  }
0x40: {  	[sflag:s30] =	ssyncadd.s32 @!p0 $0xFFFFF800  }
0x41: {  	s30 =	simm.s32 $0x2800;
	[bflag:$0x0] =	sbarrier.arrive $0xFFFF  }
0x42: {  	[tilespmem:s25], [sflag:$0x1] =	stream.indirect.gather [hbm4b:s1+s26], $0x80, s30, s26, $0xb8;
	[tilespmem:$0x1C880] =	vst v63  }
0x43: {  	_ =	swait.ge [sflag:s28], $0x3E80  }
0x44: {  	[sflag:s28] =	ssyncset.done $0x0  }
0x45: {  	s30 =	simm.s32 $0x0;
	[sflag:s28] =	ssyncadd.s32 $0xFFFFC180  }
0x46: {  	[spmem:s3] =	stream.indirect.scatter.add.f32 [tilespmem:s25], [sflag:$0x2], $0x80, s30, s26, $0xb8;
	[tilespmem:$0x1C880] =	vst v63  }
0x47: {  	_ =	swait.ge [sflag:s23], $0x3E80  }
0x48: {  	s31 =	simm.s32 $0x400;
	s30 =	simm.s32 $0x80;
	[sflag:s23] =	ssyncset.done $0x0  }
.LBB2_2:
0x49: {  	s2 =	sadd.s32 $0x2800, s30  }
0x4a: {  	[sflag:s23] =	ssyncadd.s32 $0xFFFFC180;
	s0 =	smov.u32 s31;
	s24 =	sadd.s32 $0x200, s31  }
0x4b: {  	[tilespmem:s25], [sflag:$0x1] =	stream.indirect.gather [hbm4b:s1+s26], $0x80, s2, s26, $0xb8;
	[tilespmem:$0x1C880] =	vst v63  }
0x4c: {  	p1 =	sne.s32 s31, $0x9E00;
	_ =	swait.ge [sflag:s28], $0x3E80  }
.Ltmp0:
0x4d: {  	[sflag:s28] =	ssyncset.done $0x0;
	(pc) =	sbr.rel @p1 .LBB2_2-.Ltmp0, $4  }
0x4e: {  	[sflag:s28] =	ssyncadd.s32 $0xFFFFC180  }
0x4f: {  	[spmem:s3] =	stream.indirect.scatter.add.f32 [tilespmem:s25], [sflag:$0x2], $0x80, s30, s26, $0xb8;
	[tilespmem:$0x1C880] =	vst v63  }
0x50: {  	_ =	swait.ge [sflag:s23], $0x3E80  }
0x51: {  	s31 =	smov.u32 s24;
	s30 =	sshra.s32 s0, $0x2;
	[sflag:s23] =	ssyncset.done $0x0  }
0x52: {  	s0 =	sadd.s32 $0x2800, s30;
	[sflag:s23] =	ssyncadd.s32 $0xFFFFC180  }
0x53: {  	[tilespmem:s25], [sflag:$0x1] =	stream.indirect.gather [hbm4b:s1+s26], $0x80, s0, s26, $0xb8;
	[tilespmem:$0x1C880] =	vst v63  }
0x54: {  	_ =	swait.ge [sflag:s28], $0x3E80  }
0x55: {  	[sflag:s28] =	ssyncset.done $0x0  }
0x56: {  	[sflag:s28] =	ssyncadd.s32 $0xFFFFC180  }
0x57: {  	[spmem:s3] =	stream.indirect.scatter.add.f32 [tilespmem:s25], [sflag:$0x2], $0x80, s30, s26, $0xb8;
	[tilespmem:$0x1C880] =	vst v63  }
0x58: {  	_ =	swait.ge [sflag:s23], $0x3E80  }
0x59: {  	[sflag:s23] =	ssyncset.done $0x0  }
0x5a: {  	[sflag:s23] =	ssyncadd.s32 $0xFFFFC180  }
0x5b: {  	[bflag:$0x0] =	sbarrier.arrive $0xFFFF  }
0x5c: {  	[tilespmem:s25], [sflag:$0x2] =	stream.linear.gather [spmem:s8], $0x3400, $0x38;
	[tilespmem:$0x1C880] =	vst v63  }
0x5d: {  	_ =	swait.ge [sflag:s23], $0x3400  }
0x5e: {  	[sflag:s23] =	ssyncset.done $0x0  }
0x5f: {  	[sflag:s23] =	ssyncadd.s32 $0xFFFFCC00  }
0x60: {  	[hbm4b:s15+s4] =	stream.linear.scatter [tilespmem:s25], [sflag:$0x2], $0x3400, $0x38;
	[tilespmem:$0x1C880] =	vst v63  }
0x61: {  	_ =	swait.ge [sflag:s23], $0x3400  }
0x62: {  	[sflag:s23] =	ssyncset.done $0x0  }
0x63: {  	[sflag:s23] =	ssyncadd.s32 $0xFFFFCC00  }
0x64: {  	[tilespmem:s25], [sflag:$0x2] =	stream.linear.gather [spmem:s9], $0x3400, $0x38;
	[tilespmem:$0x1C880] =	vst v63  }
0x65: {  	_ =	swait.ge [sflag:s23], $0x3400  }
0x66: {  	[sflag:s23] =	ssyncset.done $0x0  }
0x67: {  	[sflag:s23] =	ssyncadd.s32 $0xFFFFCC00  }
0x68: {  	[hbm4b:s16+s4] =	stream.linear.scatter [tilespmem:s25], [sflag:$0x2], $0x3400, $0x38;
	[tilespmem:$0x1C880] =	vst v63  }
0x69: {  	_ =	swait.ge [sflag:s23], $0x3400  }
0x6a: {  	[sflag:s23] =	ssyncset.done $0x0  }
0x6b: {  	[sflag:s23] =	ssyncadd.s32 $0xFFFFCC00  }
0x6c: {  	[tilespmem:s25], [sflag:$0x2] =	stream.linear.gather [spmem:s10], $0x3400, $0x38;
	[tilespmem:$0x1C880] =	vst v63  }
0x6d: {  	_ =	swait.ge [sflag:s23], $0x3400  }
0x6e: {  	[sflag:s23] =	ssyncset.done $0x0  }
0x6f: {  	[sflag:s23] =	ssyncadd.s32 $0xFFFFCC00  }
0x70: {  	[hbm4b:s17+s4] =	stream.linear.scatter [tilespmem:s25], [sflag:$0x2], $0x3400, $0x38;
	[tilespmem:$0x1C880] =	vst v63  }
0x71: {  	_ =	swait.ge [sflag:s23], $0x3400  }
0x72: {  	[sflag:s23] =	ssyncset.done $0x0  }
0x73: {  	[sflag:s23] =	ssyncadd.s32 $0xFFFFCC00  }
0x74: {  	[tilespmem:s25], [sflag:$0x2] =	stream.linear.gather [spmem:s11], $0x3400, $0x38;
	[tilespmem:$0x1C880] =	vst v63  }
0x75: {  	_ =	swait.ge [sflag:s23], $0x3400  }
0x76: {  	[sflag:s23] =	ssyncset.done $0x0  }
0x77: {  	[sflag:s23] =	ssyncadd.s32 $0xFFFFCC00  }
0x78: {  	[hbm4b:s18+s4] =	stream.linear.scatter [tilespmem:s25], [sflag:$0x2], $0x3400, $0x38;
	[tilespmem:$0x1C880] =	vst v63  }
0x79: {  	_ =	swait.ge [sflag:s23], $0x3400  }
0x7a: {  	[sflag:s23] =	ssyncset.done $0x0  }
0x7b: {  	[sflag:s23] =	ssyncadd.s32 $0xFFFFCC00  }
0x7c: {  	[tilespmem:s25], [sflag:$0x2] =	stream.linear.gather [spmem:s12], $0x3400, $0x38;
	[tilespmem:$0x1C880] =	vst v63  }
0x7d: {  	_ =	swait.ge [sflag:s23], $0x3400  }
0x7e: {  	[sflag:s23] =	ssyncset.done $0x0  }
0x7f: {  	[sflag:s23] =	ssyncadd.s32 $0xFFFFCC00  }
0x80: {  	[hbm4b:s19+s4] =	stream.linear.scatter [tilespmem:s25], [sflag:$0x2], $0x3400, $0x38;
	[tilespmem:$0x1C880] =	vst v63  }
0x81: {  	_ =	swait.ge [sflag:s23], $0x3400  }
0x82: {  	[sflag:s23] =	ssyncset.done $0x0  }
0x83: {  	[sflag:s23] =	ssyncadd.s32 $0xFFFFCC00  }
0x84: {  	[tilespmem:s25], [sflag:$0x2] =	stream.linear.gather [spmem:s13], $0x3400, $0x38;
	[tilespmem:$0x1C880] =	vst v63  }
0x85: {  	_ =	swait.ge [sflag:s23], $0x3400  }
0x86: {  	[sflag:s23] =	ssyncset.done $0x0  }
0x87: {  	[sflag:s23] =	ssyncadd.s32 $0xFFFFCC00  }
0x88: {  	[hbm4b:s20+s4] =	stream.linear.scatter [tilespmem:s25], [sflag:$0x2], $0x3400, $0x38;
	[tilespmem:$0x1C880] =	vst v63  }
0x89: {  	_ =	swait.ge [sflag:s23], $0x3400  }
0x8a: {  	[sflag:s23] =	ssyncset.done $0x0  }
0x8b: {  	s2 =	simm.s32 @!p0 $0x2;
	s0 =	simm.s32 @!p0 $0x5000;
	[sflag:s23] =	ssyncadd.s32 $0xFFFFCC00  }
0x8c: {  	[tilespmem:s0], [sflag:$0x2] =	stream.linear.gather @!p0 [spmem:s14], $0x800, $0x38;
	[tilespmem:$0x1C880] =	vst v63  }
0x8d: {  	s29 =	sadd.s32 $0x1, s29;
	_ =	swait.ge @!p0 [sflag:s2], $0x800  }
0x8e: {  	p1 =	sne.s32 s29, s22;
	[sflag:s2] =	ssyncset.done @!p0 $0x0  }
.Ltmp1:
0x8f: {  	s24 =	simm.s32 @!p0 $0x0;
	[sflag:s2] =	ssyncadd.s32 @!p0 $0xFFFFF800;
	(pc) =	sbr.rel @p1 .LBB2_1-.Ltmp1, $4  }
0x90: {  	[hbm4b:s21+s24] =	stream.linear.scatter @!p0 [tilespmem:s0], [sflag:$0x2], $0x800, $0x38;
	[tilespmem:$0x1C880] =	vst v63  }
0x91: {  	_ =	swait.ge @!p0 [sflag:s2], $0x800  }
0x92: {  	[sflag:s2] =	ssyncset.done @!p0 $0x0  }
0x93: {  	[sflag:s2] =	ssyncadd.s32 @!p0 $0xFFFFF800  }
0x94: {  	_ =	sfence.sel $0x180000  }
0x95: {  	[bflag:$0x0] =	sbarrier.arrive $0xFFFF  }
0x96: {  	_ =	strace $0x9000004A  }
0x97: {  	s0 =	stileid.u32;
	[bflag:$0x2] =	sbarrier.arrive $0xFFFF  }
0x98: {  	p0 =	sne.s32 s0, $0x0;
	s0 =	rddreg [dreg:$0x3]  }
0x99: {  	s0 =	sadd.s32 @!p0 $0x100000, s0  }
0x9a: {  	[sflag:s0] =	ssyncadd.tile.s32 @!p0 $0x1;
	_ =	shalt  }
.Lfunc_end2:
_tile_overlayer_lowered:
.L_overlay_start_2:
0x9b: {  	(tag) =	ssettag $0x2  }
0x9c: {  	s0 =	rddreg [dreg:$0x0];
	s2 =	stileid.u32  }
0x9d: {  	s1 =	rddreg [dreg:$0x1];
	p0 =	sne.s32 s2, $0x0  }
0x9e: {  	s3 =	rddreg [dreg:$0x2];
	[bflag:$0x3] =	sbarrier.arrive $0xFFFF;
	s2 =	simm.s32 @!p0 $0x1C02  }
0x9f: {  	[timem:s3], [sflag:s2] =	dma.local @!p0 [hbm:s0], s1  }
0xa0: {  	s0 =	simm.s32 @!p0 $0x2  }
0xa1: {  	_ =	swait.ge @!p0 [sflag:s0], s1  }
0xa2: {  	s1 =	ssub.s32 @!p0 $0x0, s1;
	[sflag:s0] =	ssyncset.done @!p0 $0x0  }
0xa3: {  	[sflag:s0] =	ssyncadd.s32 @!p0 s1  }
0xa4: {  	[bflag:$0x3] =	sbarrier.arrive $0xFFFF  }
0xa5: {  	_ =	shalt  }

// kernel: kernel.7.cloned.1.call-start
scs
__scs_entry_jumppad:
0x0: {  	(pc) =	sbr.rel $0x88, $3  }
0x1: {  	(tag) =	ssettag $0x0;
	lr =	simm.s32 $0x1  }
0x2: {  	[smem:$0x3F9B] =	sst lr;
	_ =	strace $0xD0000000  }
0x3: {  	_ = 	snop  }
0x4: {  	_ = 	snop  }
0x5: {  	_ = 	snop  }
0x6: {  	_ = 	snop  }
0x7: {  	_ = 	snop  }
__scs_overlays_trampoline_lowered:
0x8: {  	[smem:$0x3FAA] =	sst s0  }
0x9: {  	[smem:$0x3FAB] =	sst s1  }
0xa: {  	[smem:$0x3FAC] =	sst s2  }
0xb: {  	[smem:$0x3FAD] =	sst s3  }
0xc: {  	[smem:$0x3FAE] =	sst s4  }
0xd: {  	[smem:$0x3FAF] =	sst s5  }
0xe: {  	[smem:$0x3FB0] =	sst s6  }
0xf: {  	[smem:$0x3FB1] =	sst s7  }
0x10: {  	[smem:$0x3FB2] =	sst s8  }
0x11: {  	[smem:$0x3FB3] =	sst s9;
	s0 =	simm.s32 @!p0 $0x0  }
0x12: {  	s1 =	sld [smem:$0x3F99];
	s0 =	simm.s32 @p0 $0x1  }
0x13: {  	[smem:$0x3FB4] =	sst s0;
	s0 =	simm.s32 @!p1 $0x0  }
0x14: {  	s2 =	sld [smem:$0x3F98];
	s0 =	simm.s32 @p1 $0x1  }
0x15: {  	[smem:$0x3FB5] =	sst s0;
	s0 =	simm.s32 @!p2 $0x0  }
0x16: {  	s3 =	sld [smem:$0x3FDB];
	s0 =	simm.s32 @p2 $0x1  }
0x17: {  	s4 =	simm.s32 $0x1BF5;
	[smem:$0x3FB7] =	sst s0  }
0x18: {  	s0 =	sld [smem:$0x3F9A];
	_ =	swait.ge [sflag:s4], $0x0  }
0x19: {  	s7 =	sld [smem:$0x3F9B]  }
0x1a: {  	s8 =	sadd.s32 $0xFFFFE003, lr  }
0x1b: {  	s9 =	sadd.s32 $0xFFFFFEF7, lr;
	s5 =	simm.s32 $0xFFFFFFFF;
	p2 =	slt.u32 s8, $0xFFFFF086  }
0x1c: {  	p1 =	slt.u32 s9, $0xF7A;
	s5 =	simm.s32 @!p2 $0x0  }
0x1d: {  	s5 =	simm.s32 @p1 $0x1;
	p0 =	seq.s32 s7, s2  }
0x1e: {  	s7 =	smul.u32 @!p0 $0xF7A, s2;
	p2 =	seq.s32 @!p0 s5, $0x0  }
0x1f: {  	s9 =	smul.u32 $0xF7A, s1;
	s8 =	simm.s32 @!p0 $0x1BF5;
	p2 =	por !p2, p0  }
0x20: {  	[sflag:s8] =	ssyncset.s32 @!p0 $0xFFFFF086;
	s6 =	sadd.s32 @!p0 s3, s7;
	s7 =	simm.s32 @!p0 $0x108  }
0x21: {  	s3 =	sadd.s32 s3, s9;
	s6 =	sadd.s32 @!p0 $0x88, s6;
	s7 =	simm.s32 @p2 $0x1082  }
0x22: {  	[simem:s7], [sflag:s8] =	dma.local @!p0 [hbm:s6], $0xF7A  }
0x23: {  	s9 =	sor.u32 $0xD0000000, s2;
	s6 =	simm.s32 $0x108;
	_ =	swait.ge @!p0 [sflag:s8], $0x0  }
0x24: {  	s3 =	sadd.s32 $0x88, s3;
	s6 =	simm.s32 @!p1 $0x1082;
	[sflag:s4] =	ssyncset.s32 $0xFFFFF086  }
0x25: {  	[simem:s6], [sflag:s4] =	dma.local [hbm:s3], $0xF7A  }
0x26: {  	[smem:$0x3F9B] =	sst s1;
	(tag) =	ssettag s2;
	_ =	strace s9  }
0x27: {  	s1 =	sld [smem:$0x3FAB]  }
0x28: {  	s2 =	sld [smem:$0x3FAC]  }
0x29: {  	s4 =	sld [smem:$0x3FAE]  }
0x2a: {  	p0 =	seq.s32 s5, $0x0;
	s5 =	sld [smem:$0x3FAF]  }
0x2b: {  	s6 =	sld [smem:$0x3FB0]  }
0x2c: {  	s7 =	sld [smem:$0x3FB1]  }
0x2d: {  	s3 =	simm.s32 $0x108;
	s8 =	sld [smem:$0x3FB2]  }
0x2e: {  	s3 =	simm.s32 @!p0 $0x1082;
	s9 =	sld [smem:$0x3FB3]  }
0x2f: {  	lr =	sadd.s32 s0, s3;
	s0 =	sld [smem:$0x3FAA]  }
0x30: {  	s3 =	sld [smem:$0x3FAD]  }
0x31: {  	[smem:$0x3FB6] =	sst s10  }
0x32: {  	s10 =	sld [smem:$0x3FB4];
	_ =	sdelay $0x3  }
0x33: {  	p0 =	seq.s32 s10, $0x1;
	s10 =	sld [smem:$0x3FB6];
	_ =	sdelay $0x3  }
0x34: {  	[smem:$0x3FB6] =	sst s10  }
0x35: {  	s10 =	sld [smem:$0x3FB5];
	_ =	sdelay $0x3  }
0x36: {  	p1 =	seq.s32 s10, $0x1;
	s10 =	sld [smem:$0x3FB6];
	_ =	sdelay $0x3  }
0x37: {  	[smem:$0x3FB6] =	sst s10  }
0x38: {  	s10 =	sld [smem:$0x3FB7]  }
0x39: {  	_ = 	snop;
	(pc) =	sbr.ind lr, $3  }
0x3a: {  	_ = 	snop  }
0x3b: {  	_ = 	snop  }
0x3c: {  	p2 =	seq.s32 s10, $0x1;
	s10 =	sld [smem:$0x3FB6]  }
0x3d: {  	_ =	shalt  }
0x3e: {  	_ =	shalt  }
0x3f: {  	_ =	shalt  }
0x40: {  	_ =	shalt  }
0x41: {  	_ =	shalt  }
0x42: {  	_ =	shalt  }
0x43: {  	_ =	shalt  }
0x44: {  	_ =	shalt  }
0x45: {  	_ =	shalt  }
0x46: {  	_ =	shalt  }
0x47: {  	_ =	shalt  }
0x48: {  	_ =	shalt  }
0x49: {  	_ =	shalt  }
0x4a: {  	_ =	shalt  }
0x4b: {  	_ =	shalt  }
0x4c: {  	_ =	shalt  }
0x4d: {  	_ =	shalt  }
0x4e: {  	_ =	shalt  }
0x4f: {  	_ =	shalt  }
0x50: {  	_ =	shalt  }
0x51: {  	_ =	shalt  }
0x52: {  	_ =	shalt  }
0x53: {  	_ =	shalt  }
0x54: {  	_ =	shalt  }
0x55: {  	_ =	shalt  }
0x56: {  	_ =	shalt  }
0x57: {  	_ =	shalt  }
0x58: {  	_ =	shalt  }
0x59: {  	_ =	shalt  }
0x5a: {  	_ =	shalt  }
0x5b: {  	_ =	shalt  }
0x5c: {  	_ =	shalt  }
0x5d: {  	_ =	shalt  }
0x5e: {  	_ =	shalt  }
0x5f: {  	_ =	shalt  }
0x60: {  	_ =	shalt  }
0x61: {  	_ =	shalt  }
0x62: {  	_ =	shalt  }
0x63: {  	_ =	shalt  }
0x64: {  	_ =	shalt  }
0x65: {  	_ =	shalt  }
0x66: {  	_ =	shalt  }
0x67: {  	_ =	shalt  }
0x68: {  	_ =	shalt  }
0x69: {  	_ =	shalt  }
0x6a: {  	_ =	shalt  }
0x6b: {  	_ =	shalt  }
0x6c: {  	_ =	shalt  }
0x6d: {  	_ =	shalt  }
0x6e: {  	_ =	shalt  }
0x6f: {  	_ =	shalt  }
0x70: {  	_ =	shalt  }
0x71: {  	_ =	shalt  }
0x72: {  	_ =	shalt  }
0x73: {  	_ =	shalt  }
0x74: {  	_ =	shalt  }
0x75: {  	_ =	shalt  }
0x76: {  	_ =	shalt  }
0x77: {  	_ =	shalt  }
0x78: {  	_ =	shalt  }
0x79: {  	_ =	shalt  }
0x7a: {  	_ =	shalt  }
0x7b: {  	_ =	shalt  }
0x7c: {  	_ =	shalt  }
0x7d: {  	_ =	shalt  }
0x7e: {  	_ =	shalt  }
0x7f: {  	_ =	shalt  }
0x80: {  	_ =	shalt  }
0x81: {  	_ =	shalt  }
0x82: {  	_ =	shalt  }
0x83: {  	_ =	shalt  }
0x84: {  	_ =	shalt  }
0x85: {  	_ =	shalt  }
0x86: {  	_ =	shalt  }
0x87: {  	_ =	shalt  }
.Lfunc_end0:
.L_simem_size_0:
called_computation_lowered:
.L_overlay_start_0:
0x88: {  	s2 =	sld [smem:$0x3FD9]  }
0x89: {  	s3 =	sld [smem:$0x3FFE];
	_ =	sdelay $0x1  }
0x8a: {  	s1 =	srdreg.scid  }
0x8b: {  	s0 =	sand.u32 $0x1, s1  }
0x8c: {  	s17 =	sshll.u32 s0, $0xA;
	s2 =	sadd.s32 s3, s2  }
0x8d: {  	s2 =	sadd.s32 s2, s17  }
0x8e: {  	[smem:$0x3FC2] =	sst s2  }
0x8f: {  	_ = 	snop  }
0x90: {  	s2 =	sld [smem:$0x3FD0];
	(tm) =	ssettm $0x1  }
0x91: {  	s18 =	sld [smem:$0x3FFB];
	_ =	sdelay $0x3  }
0x92: {  	_ =	strace s18  }
0x93: {  	s3 =	sld [smem:$0x3FFC];
	_ =	sdelay $0x3  }
0x94: {  	_ =	strace s3  }
0x95: {  	s3 =	sld [smem:$0x3FFD];
	_ =	sdelay $0x3  }
0x96: {  	_ =	strace s3  }
0x97: {  	_ =	strace $0x8FFFFFFF  }
0x98: {  	s19 =	sld [smem:$0x3FDB];
	_ =	sdelay $0x1  }
0x99: {  	s4 =	simm.s32 $_scs_section_size  }
0x9a: {  	s5 =	simm.s32 $_size__tile_overlayer_lowered;
	s6 =	simm.s32 $_tile_overlayer_lowered  }
0x9b: {  	s22 =	simm.s32 $0x1BFF;
	s21 =	sshll.u32 s6, $0x1;
	s3 =	sadd.s32 s4, s19  }
0x9c: {  	s7 =	simm.s32 $0x0;
	s20 =	sshll.u32 s5, $0x1;
	s5 =	sadd.s32 s21, s3  }
0x9d: {  	[timem:s7], [sflag:s22] =	dma.local [hbm:s5], s20  }
0x9e: {  	_ =	swait.ge [sflag:s22], s20  }
0x9f: {  	s4 =	ssub.s32 $0x0, s20;
	[sflag:s22] =	ssyncset.done $0x0  }
0xa0: {  	[sflag:s22] =	ssyncadd.s32 s4;
	_ =	sdelay $0x1  }
0xa1: {  	s23 =	simm.s32 $0x1B8B  }
0xa2: {  	_ =	swait.ge [sflag:s23], $0x1  }
0xa3: {  	[sflag:s23] =	ssyncset.done $0x0  }
0xa4: {  	s25 =	simm.s32 $0x1B8E;
	s24 =	sld [smem:$0x3FFE];
	[sflag:s23] =	ssyncadd.s32 $0xFFFFFFFF  }
0xa5: {  	s26 =	simm.s32 $execute0_lowered;
	[smem:$0x3FD2] =	sst s25  }
0xa6: {  	s5 =	sshll.u32 s26, $0x1;
	_ =	strace $0x80000046;
	[dreg:$0x1] =	wrdreg $0xFFFFFFFF  }
0xa7: {  	s28 =	simm.s32 $_size_execute0_lowered;
	s3 =	sadd.s32 s3, s5;
	[dreg:$0x0] =	wrdreg $0x0  }
0xa8: {  	s5 =	sshll.u32 s28, $0x1;
	[dreg:$0x2] =	wrdreg s3  }
0xa9: {  	[dreg:$0x3] =	wrdreg s5  }
0xaa: {  	[dreg:$0x4] =	wrdreg $0xC0  }
0xab: {  	_ =	task [dreg:s7], $0x5FFFF  }
0xac: {  	[dreg:$0x1] =	wrdreg $0xFFFFFFFF  }
0xad: {  	[dreg:$0x0] =	wrdreg $0x60  }
0xae: {  	[dreg:$0x2] =	wrdreg s2  }
0xaf: {  	[dreg:$0x3] =	wrdreg s24  }
0xb0: {  	[dreg:$0x4] =	wrdreg $0x9  }
0xb1: {  	_ =	task.clear_ibuf [dreg:s7], $0x5FFFF;
	_ =	strace $0x90000046  }
0xb2: {  	s29 =	simm.s32 $0x9;
	_ =	strace $0x80000048  }
0xb3: {  	_ =	swait.ge [sflag:s29], $0x1  }
0xb4: {  	[sflag:s29] =	ssyncadd.s32 $0xFFFFFFFF  }
0xb5: {  	_ =	strace $0x90000048  }
0xb6: {  	_ =	sfence  }
0xb7: {  	s30 =	sld [smem:$0x0];
	_ =	sdelay $0x2  }
0xb8: {  	s31 =	sshll.u32 s1, $0xD;
	s1 =	sshrl.u32 s1, $0x2  }
0xb9: {  	s3 =	sand.u32 $0x4000, s31;
	s1 =	sadd.s32 s1, s30  }
0xba: {  	s0 =	sor.u32 s3, s0;
	s1 =	sshll.u32 s1, $0x11  }
0xbb: {  	s0 =	sor.u32 s1, s0  }
0xbc: {  	s0 =	sadd.s32 $0x8F2B, s0  }
0xbd: {  	[sflag:s0] =	ssyncadd.remote.s32 $0x1  }
0xbe: {  	_ =	sfence.sel $0xFFFF  }
0xbf: {  	[dreg:$0x0] =	wrdreg $0xFFFFFFFF;
	(pc) =	sbr.abs _section_cstart, $3  }
0xc0: {  	[dreg:$0x1] =	wrdreg $0xFFFFFFFF  }
0xc1: {  	_ =	task.clear_ibuf [dreg:s7], $0x2FFFF;
	_ =	strace $0x9FFFFFFF  }
0xc2: {  	(tm) =	ssettm $0x7FFFFFFF  }
0xc3: {  	_ =	shalt  }
tec
execute0_lowered:
.L_overlay_start_1:
0x0: {  	(tag) =	ssettag $0x1  }
0x1: {  	s3 =	rddreg [dreg:$0x0]  }
0x2: {  	s1 =	srdreg.scid;
	s0 =	stileid.u32  }
0x3: {  	s4 =	rddreg [dreg:$0x1];
	s5 =	sand.u32 $0x1, s1;
	s2 =	sshll.u32 s0, $0x1  }
0x4: {  	s1 =	rddreg [dreg:$0x2];
	s6 =	sor.u32 s5, s2  }
0x5: {  	s2 =	simm.s32 $0x0;
	s5 =	ssub.s32 $0x2, s5;
	s7 =	smul.u32 $0x2780, s6  }
0x6: {  	[smem:$0x7FF] =	sst s2;
	s8 =	sshrl.u32 s5, $0x1;
	s6 =	smul.u32 $0x4E2, s6  }
0x7: {  	_ =	strace $0x80000047;
	s5 =	ssub.s32 s5, s8;
	s8 =	simm.s32 $0x0  }
0x8: {  	s4 =	sadd.s32 s7, s4;
	s3 =	sadd.s32 s3, s6;
	s5 =	smax.u32 s5, $0x1  }
0x9: {  	v0 =	vimm.f32 $0.0e+00;
	v1 =	vimm.f32 $1.000000000e+00;
	s6 =	simm.s32 $0x1;
	s7 =	simm.s32 $0x2780;
	s4 =	sadd.s32 $0x1C00, s4  }
.LBB2_1:
0xa: {  	[tilespmem:s2], [sflag:$0x1] =	stream.linear.gather [hbm4b:s3+s2], $0x2710, $0x38;
	[tilespmem:$0x16380] =	vst v63  }
0xb: {  	_ =	swait.ge [sflag:s6], $0x2710  }
0xc: {  	[sflag:s6] =	ssyncset.done $0x0  }
0xd: {  	s9 =	simm.s32 $0x0;
	[sflag:s6] =	ssyncadd.s32 $0xFFFFD8F0  }
.LBB2_2:
0xe: {  	p0 =	sne.s32 s9, $0x4E000  }
.Ltmp0:
0xf: {  	_ = 	snop;
	(pc) =	sbr.rel @p0 .LBB2_2-.Ltmp0, $3  }
0x10: {  	_ =	sdelay $0x1  }
0x11: {  	s10 =	sshra.s32 s9, $0x2  }
0x12: {  	s9 =	sadd.s32 $0x200, s9;
	[tilespmem:s10+$0x2780] =	vst v0  }
0x13: {  	s10 =	simm.s32 $0x0;
	s9 =	simm.s32 $0x40  }
.LBB2_4:
0x14: {  	p0 =	sne.s32 s9, $0x9C00;
	v2 =	vld [tilespmem:s10+$0x0];
	_ =	sdelay $0x4  }
0x15: {  	v3 =	vshll.u32 v2, $0x3  }
0x16: {  	v2 =	vand.u32 $0xF, v2;
	v3 =	vand.u32 $0xFFFFFF80, v3  }
0x17: {  	v2 =	vor.u32 v2, v3  }
.Ltmp1:
0x18: {  	(pc) =	sbr.rel @p0 .LBB2_4-.Ltmp1, $2  }
0x19: {  	_ =	sdelay $0x2  }
0x1a: {  	s10 =	sshra.s32 s9, $0x2;
	s9 =	sadd.s32 $0x40, s9;
	[tilespmem:v2+s7+$0x0] =	vst.idx.add.f32.msk $0xffff, v1  }
0x1b: {  	v2 =	vld [tilespmem:s10+$0x0];
	_ =	sdelay $0x4  }
0x1c: {  	v3 =	vshll.u32 v2, $0x3  }
0x1d: {  	v2 =	vand.u32 $0xF, v2;
	v3 =	vand.u32 $0xFFFFFF80, v3  }
0x1e: {  	v2 =	vor.u32 v2, v3;
	_ =	sdelay $0x2  }
0x1f: {  	s8 =	sadd.s32 $0x1, s8  }
0x20: {  	p0 =	sne.s32 s8, s5  }
.Ltmp2:
0x21: {  	[tilespmem:v2+s7+$0x0] =	vst.idx.add.f32.msk $0xffff, v1;
	(pc) =	sbr.rel @p0 .LBB2_1-.Ltmp2, $4  }
0x22: {  	[hbm4b:s4+s2] =	stream.linear.scatter [tilespmem:s7], [sflag:$0x1], $0x13880, $0x38;
	[tilespmem:$0x16380] =	vst v63  }
0x23: {  	_ =	swait.ge [sflag:s6], $0x13880  }
0x24: {  	[sflag:s6] =	ssyncset.done $0x0  }
0x25: {  	[sflag:s6] =	ssyncadd.s32 $0xFFFEC780  }
0x26: {  	_ =	sfence.sel $0x180000  }
0x27: {  	[bflag:$0x0] =	sbarrier.arrive $0xFFFF  }
0x28: {  	p0 =	sne.s32 s0, $0x0;
	_ =	strace $0x90000047  }
0x29: {  	s0 =	sadd.s32 @!p0 $0x100000, s1;
	[bflag:$0x2] =	sbarrier.arrive $0xFFFF  }
0x2a: {  	[sflag:s0] =	ssyncadd.tile.s32 @!p0 $0x1;
	_ =	shalt  }
.Lfunc_end2:
_tile_overlayer_lowered:
.L_overlay_start_2:
0x2b: {  	(tag) =	ssettag $0x2  }
0x2c: {  	s0 =	rddreg [dreg:$0x0];
	s2 =	stileid.u32  }
0x2d: {  	s1 =	rddreg [dreg:$0x1];
	p0 =	sne.s32 s2, $0x0  }
0x2e: {  	s3 =	rddreg [dreg:$0x2];
	[bflag:$0x3] =	sbarrier.arrive $0xFFFF;
	s2 =	simm.s32 @!p0 $0x1C01  }
0x2f: {  	[timem:s3], [sflag:s2] =	dma.local @!p0 [hbm:s0], s1  }
0x30: {  	s0 =	simm.s32 @!p0 $0x1  }
0x31: {  	_ =	swait.ge @!p0 [sflag:s0], s1  }
0x32: {  	s1 =	ssub.s32 @!p0 $0x0, s1;
	[sflag:s0] =	ssyncset.done @!p0 $0x0  }
0x33: {  	[sflag:s0] =	ssyncadd.s32 @!p0 s1  }
0x34: {  	[bflag:$0x3] =	sbarrier.arrive $0xFFFF  }
0x35: {  	_ =	shalt  }

</sc_bundles>
